<compile_context>
chip_gen: v7x
topology: tpu7x:2x2x1
jax: 0.10.2.dev20260603
libtpu: 0.0.44.dev20260713+nightly
codegen_flags: <defaults>
</compile_context>

<pallas_src>
import functools

import jax
import jax.numpy as jnp
from jax import lax
from jax.experimental import pallas as pl
from jax.experimental.pallas import tpu as pltpu
from jax.experimental.pallas import tpu_sc as plsc

D_MODEL = 768
NUM_EXPERTS = 64
D_EXPERT = 64
TOKENS = 2048
EPB = 16
GRID = NUM_EXPERTS // EPB

NUM_WORKERS = 16
TOK_PER_BLK = TOKENS // NUM_WORKERS
LANES = 16


def _router_kernel(x_ref, wg_ref, probsT_ref, pm_ref):
    x = x_ref[...]
    logits = jnp.dot(x, wg_ref[...], preferred_element_type=jnp.float32)
    m = jnp.max(logits, axis=-1, keepdims=True)
    ex = jnp.exp(logits - m)
    probs = ex / jnp.sum(ex, axis=-1, keepdims=True)
    probsT_ref[...] = probs.T
    pm_ref[...] = jnp.sum(probs, axis=0, keepdims=True)


NGRP = TOK_PER_BLK // LANES


def _sc_top2_body(probsT_hbm, cwT_hbm, probs_v, cw_v):
    cid = lax.axis_index("c")
    sid = lax.axis_index("s")
    wid = cid * 8 + sid

    @pl.when(sid < 8)
    def _work():
        base = wid * TOK_PER_BLK
        pltpu.sync_copy(probsT_hbm.at[:, pl.ds(base, TOK_PER_BLK)], probs_v)
        neg = jnp.full((LANES,), -jnp.inf, jnp.float32)
        izero = jnp.zeros((LANES,), jnp.int32)

        def scan_expert(e, carry):
            v1, i1, v2, i2 = carry
            ev = jnp.broadcast_to(e, (LANES,))
            nv1, ni1, nv2, ni2 = [], [], [], []
            for j in range(NGRP):
                p = probs_v[e, pl.ds(j * LANES, LANES)]
                gt1 = p > v1[j]
                gt2 = p > v2[j]
                nv2.append(jnp.where(gt1, v1[j], jnp.where(gt2, p, v2[j])))
                ni2.append(jnp.where(gt1, i1[j], jnp.where(gt2, ev, i2[j])))
                nv1.append(jnp.where(gt1, p, v1[j]))
                ni1.append(jnp.where(gt1, ev, i1[j]))
            return tuple(nv1), tuple(ni1), tuple(nv2), tuple(ni2)

        init = (
            (neg,) * NGRP, (izero,) * NGRP, (neg,) * NGRP, (izero,) * NGRP,
        )
        v1, i1, v2, i2 = lax.fori_loop(0, NUM_EXPERTS, scan_expert, init)
        g1 = []
        g2 = []
        for j in range(NGRP):
            sv = v1[j] + v2[j]
            g1.append(v1[j] / sv + 2.0)
            g2.append(v2[j] / sv + 2.0)
        zero = jnp.zeros((LANES,), jnp.float32)

        def write_expert(e, carry):
            ev = jnp.broadcast_to(e, (LANES,))
            for j in range(NGRP):
                row = (jnp.where(i1[j] == ev, g1[j], zero)
                       + jnp.where(i2[j] == ev, g2[j], zero))
                cw_v[e, pl.ds(j * LANES, LANES)] = row
            return carry

        lax.fori_loop(0, NUM_EXPERTS, write_expert, 0)
        pltpu.sync_copy(cw_v, cwT_hbm.at[:, pl.ds(base, TOK_PER_BLK)])


def _ffn_kernel(x_ref, cwm_ref, pm_ref, w1_ref, w2_ref, out_ref, aux_ref,
                cw_ref):
    g = pl.program_id(0)

    @pl.when(g == 0)
    def _decode():
        cwmT = cwm_ref[...]
        mask = (cwmT > 1.5).astype(jnp.float32)
        cw_ref[...] = (cwmT - 2.0 * mask).T
        rc = jnp.sum(mask, axis=1, keepdims=True)
        aux = (NUM_EXPERTS / (TOKENS * TOKENS)) * jnp.dot(
            pm_ref[...], rc, preferred_element_type=jnp.float32)
        aux_ref[...] = aux

    x = x_ref[...]
    h = jnp.dot(x, w1_ref[...], preferred_element_type=jnp.float32)
    h = 0.5 * h * (1.0 + jax.lax.erf(h * 0.7071067811865476))
    er = jax.lax.broadcasted_iota(jnp.int32, (NUM_EXPERTS, EPB * D_EXPERT), 0)
    ec = jax.lax.broadcasted_iota(jnp.int32, (NUM_EXPERTS, EPB * D_EXPERT), 1)
    sel = (er == g * EPB + ec // D_EXPERT).astype(jnp.float32)
    scale = jnp.dot(cw_ref[...], sel, preferred_element_type=jnp.float32)
    h = h * scale
    contrib = jnp.dot(h, w2_ref[...], preferred_element_type=jnp.float32)

    @pl.when(g == 0)
    def _():
        out_ref[...] = contrib

    @pl.when(g > 0)
    def _():
        out_ref[...] += contrib


def kernel(x, W_gate, expert_w1, expert_w2):
    x2d = x.reshape(TOKENS, D_MODEL)
    w1_all = expert_w1.transpose(1, 0, 2).reshape(D_MODEL, NUM_EXPERTS * D_EXPERT)
    w2_all = expert_w2.reshape(NUM_EXPERTS * D_EXPERT, D_MODEL)

    probsT, pm = pl.pallas_call(
        _router_kernel,
        out_shape=(
            jax.ShapeDtypeStruct((NUM_EXPERTS, TOKENS), jnp.float32),
            jax.ShapeDtypeStruct((1, NUM_EXPERTS), jnp.float32),
        ),
    )(x2d, W_gate)

    sc_top2 = functools.partial(
        pl.kernel,
        mesh=plsc.VectorSubcoreMesh(core_axis_name="c", subcore_axis_name="s"),
        out_type=jax.ShapeDtypeStruct((NUM_EXPERTS, TOKENS), jnp.float32),
        scratch_types=[
            pltpu.VMEM((NUM_EXPERTS, TOK_PER_BLK), jnp.float32),
            pltpu.VMEM((NUM_EXPERTS, TOK_PER_BLK), jnp.float32),
        ],
    )(_sc_top2_body)
    cwmT = sc_top2(probsT)

    out2d, aux = pl.pallas_call(
        _ffn_kernel,
        grid=(GRID,),
        in_specs=[
            pl.BlockSpec((TOKENS, D_MODEL), lambda g: (0, 0)),
            pl.BlockSpec((NUM_EXPERTS, TOKENS), lambda g: (0, 0)),
            pl.BlockSpec((1, NUM_EXPERTS), lambda g: (0, 0)),
            pl.BlockSpec((D_MODEL, EPB * D_EXPERT), lambda g: (0, g)),
            pl.BlockSpec((EPB * D_EXPERT, D_MODEL), lambda g: (g, 0)),
        ],
        out_specs=(
            pl.BlockSpec((TOKENS, D_MODEL), lambda g: (0, 0)),
            pl.BlockSpec((1, 1), lambda g: (0, 0)),
        ),
        out_shape=(
            jax.ShapeDtypeStruct((TOKENS, D_MODEL), jnp.float32),
            jax.ShapeDtypeStruct((1, 1), jnp.float32),
        ),
        scratch_shapes=[pltpu.VMEM((TOKENS, NUM_EXPERTS), jnp.float32)],
    )(x2d, cwmT, pm, w1_all, w2_all)

    return out2d.reshape(x.shape), aux[0, 0]

# --- scband reference (transcript-rebuilt; emitter-appended) ---
"""Pipeline reference for scband-batched-mo-e-40827959116455 (READ-ONLY COPY).

The authoritative reference and input builder live on the scoring server;
editing this copy changes nothing except your own understanding.
"""

import jax, jax.numpy as jnp
import numpy as np

D_MODEL = 768
NUM_EXPERTS = 64
D_EXPERT = 64
TOP_K = 2


def setup_inputs(seed: int = 0) -> dict:
    key = jax.random.key(seed)
    k1, k2, k3, k4 = jax.random.split(key, 4)
    x = jax.random.normal(k1, (1, 2048, D_MODEL), dtype=jnp.float32)
    W_gate = jax.random.normal(k2, (D_MODEL, NUM_EXPERTS), dtype=jnp.float32) * (1.0 / np.sqrt(D_MODEL))
    expert_w1 = jax.random.normal(k3, (NUM_EXPERTS, D_MODEL, D_EXPERT), dtype=jnp.float32) * (1.0 / np.sqrt(D_MODEL))
    expert_w2 = jax.random.normal(k4, (NUM_EXPERTS, D_EXPERT, D_MODEL), dtype=jnp.float32) * (1.0 / np.sqrt(D_EXPERT))
    return {"x": x, "W_gate": W_gate, "expert_w1": expert_w1, "expert_w2": expert_w2}


def _moe_forward(x, W_gate, expert_w1, expert_w2):
    b, s, d = x.shape
    # Router: logits = gate(x)
    router_logits = jnp.einsum('bsd,de->bse', x, W_gate)
    # top_k_gating: softmax -> top-k -> renormalize
    router_probs = jax.nn.softmax(router_logits, axis=-1)
    gate_vals, indices = jax.lax.top_k(router_probs, TOP_K)
    gates = gate_vals / jnp.sum(gate_vals, axis=-1, keepdims=True)
    # Flatten batch and sequence dims
    x_flat = x.reshape(-1, d)
    gates_flat = gates.reshape(-1, TOP_K)
    indices_flat = indices.reshape(-1, TOP_K)
    output = jnp.zeros_like(x_flat)
    # Process each top-k slot: per-token gather of expert weight matrices + bmm
    for k_idx in range(TOP_K):
        expert_idx = indices_flat[:, k_idx]
        gate_weight = gates_flat[:, k_idx]
        w1 = jnp.take(expert_w1, expert_idx, axis=0)  # (T, d_model, d_expert)
        w2 = jnp.take(expert_w2, expert_idx, axis=0)  # (T, d_expert, d_model)
        hidden = jnp.einsum('td,tde->te', x_flat, w1)  # bmm(x.unsqueeze(1), w1)
        hidden = jax.nn.gelu(hidden, approximate=False)  # F.gelu exact; dropout=0 is identity
        expert_out = jnp.einsum('te,ted->td', hidden, w2)
        output = output + gate_weight[:, None] * expert_out
    # Load-balancing aux loss: E * sum(frac_dispatched * mean_prob)
    probs_flat = router_probs.reshape(-1, NUM_EXPERTS)
    dispatch = jnp.sum(jax.nn.one_hot(indices_flat, NUM_EXPERTS, dtype=probs_flat.dtype), axis=1)
    f = jnp.mean(dispatch, axis=0)
    P = jnp.mean(probs_flat, axis=0)
    aux_loss = NUM_EXPERTS * jnp.sum(f * P)
    return output.reshape(b, s, d), aux_loss


def reference(x, W_gate, expert_w1, expert_w2):
    return _moe_forward(x, W_gate, expert_w1, expert_w2)

if __name__ == "__main__":
    import jax
    _d = setup_inputs()
    print(jax.jit(kernel)(*tuple(_d.values())))

</pallas_src>

<mosaic_0001>
#map = affine_map<(d0, d1) -> (0, 0)>
module attributes {stable_mosaic.version = 14 : i64} {
  func.func @_sc_top2_body(%arg0: i32, %arg1: i32, %arg2: memref<64x2048xf32, #tpu.memory_space<hbm>>, %arg3: memref<64x2048xf32, #tpu.memory_space<hbm>>, %arg4: memref<64x128xf32, #tpu.memory_space<vmem>>, %arg5: memref<64x128xf32, #tpu.memory_space<vmem>>) attributes {dimension_semantics = [#tpu.dimension_semantics<core_parallel>, #tpu.dimension_semantics<subcore_parallel>], iteration_bounds = array<i64: 2, 16>, scalar_prefetch = 0 : i64, scratch_operands = 2 : i64, tpu.core_type = #tpu.core_type<sc_vector_subcore>, window_params = [{transform_indices = #map}, {transform_indices = #map}]} {
    %mul3A = arith.constant 8 : i32
    %mul3A_0 = arith.muli %arg0, %mul3A : i32
    %add3A = arith.addi %mul3A_0, %arg1 : i32
    %lt3A = arith.constant 8 : i32
    %lt3A_1 = arith.cmpi slt, %arg1, %lt3A : i32
    %convert_element_type3A = arith.extui %lt3A_1 : i1 to i32
    %cond3A = arith.constant 0 : i32
    %cond3A_2 = arith.cmpi ne, %convert_element_type3A, %cond3A : i32
    scf.if %cond3A_2 {
      %mul3A_3 = arith.constant 128 : i32
      %mul3A_4 = arith.muli %add3A, %mul3A_3 : i32
      "tpu.region"() ({
        %run_scoped3A = tpu.sem_alloc : memref<!tpu.dma_semaphore, #tpu.memory_space<semaphore_mem>>
        %dma_start3A = arith.constant 0 : i32
        %dma_start3A_92 = tpu.memref_slice %arg2[%dma_start3A, %mul3A_4] : memref<64x2048xf32, #tpu.memory_space<hbm>> -> memref<64x128xf32, #tpu.memory_space<hbm>>
        %dma_start3A_93 = arith.constant 0 : i32
        %dma_start3A_94 = tpu.memref_slice %arg2[%dma_start3A_93, %mul3A_4] : memref<64x2048xf32, #tpu.memory_space<hbm>> -> memref<64x128xf32, #tpu.memory_space<hbm>>
        tpu.enqueue_dma source(%dma_start3A_94 : memref<64x128xf32, #tpu.memory_space<hbm>>) target(%arg4 : memref<64x128xf32, #tpu.memory_space<vmem>>) target_semaphore(%run_scoped3A : memref<!tpu.dma_semaphore, #tpu.memory_space<semaphore_mem>>)
        %dma_wait3A = arith.constant 0 : i32
        %dma_wait3A_95 = tpu.memref_slice %arg2[%dma_wait3A, %mul3A_4] : memref<64x2048xf32, #tpu.memory_space<hbm>> -> memref<64x128xf32, #tpu.memory_space<hbm>>
        %dma_wait3A_96 = arith.constant 0 : i32
        %dma_wait3A_97 = tpu.memref_slice %arg2[%dma_wait3A_96, %mul3A_4] : memref<64x2048xf32, #tpu.memory_space<hbm>> -> memref<64x128xf32, #tpu.memory_space<hbm>>
        tpu.wait_dma2 semaphore(%run_scoped3A : memref<!tpu.dma_semaphore, #tpu.memory_space<semaphore_mem>>) src(%dma_wait3A_97 : memref<64x128xf32, #tpu.memory_space<hbm>>) dst(%arg4 : memref<64x128xf32, #tpu.memory_space<vmem>>)
        tpu.yield
      }) : () -> ()
      %broadcast_in_dim3A = arith.constant 0xFF800000 : f32
      %broadcast_in_dim3A_5 = vector.broadcast %broadcast_in_dim3A : f32 to vector<16xf32>
      %broadcast_in_dim3A_6 = arith.constant 0 : i32
      %broadcast_in_dim3A_7 = vector.broadcast %broadcast_in_dim3A_6 : i32 to vector<16xi32>
      %scan3A = arith.constant 0 : i32
      %scan3A_8 = arith.constant 64 : i32
      %scan3A_9 = arith.addi %scan3A, %scan3A_8 : i32
      %scan3A_10 = arith.constant 1 : i32
      %scan3A_11:32 = scf.for %scan3A_92 = %scan3A to %scan3A_9 step %scan3A_10 iter_args(%scan3A_93 = %broadcast_in_dim3A_5, %scan3A_94 = %broadcast_in_dim3A_5, %scan3A_95 = %broadcast_in_dim3A_5, %scan3A_96 = %broadcast_in_dim3A_5, %scan3A_97 = %broadcast_in_dim3A_5, %scan3A_98 = %broadcast_in_dim3A_5, %scan3A_99 = %broadcast_in_dim3A_5, %scan3A_100 = %broadcast_in_dim3A_5, %scan3A_101 = %broadcast_in_dim3A_7, %scan3A_102 = %broadcast_in_dim3A_7, %scan3A_103 = %broadcast_in_dim3A_7, %scan3A_104 = %broadcast_in_dim3A_7, %scan3A_105 = %broadcast_in_dim3A_7, %scan3A_106 = %broadcast_in_dim3A_7, %scan3A_107 = %broadcast_in_dim3A_7, %scan3A_108 = %broadcast_in_dim3A_7, %scan3A_109 = %broadcast_in_dim3A_5, %scan3A_110 = %broadcast_in_dim3A_5, %scan3A_111 = %broadcast_in_dim3A_5, %scan3A_112 = %broadcast_in_dim3A_5, %scan3A_113 = %broadcast_in_dim3A_5, %scan3A_114 = %broadcast_in_dim3A_5, %scan3A_115 = %broadcast_in_dim3A_5, %scan3A_116 = %broadcast_in_dim3A_5, %scan3A_117 = %broadcast_in_dim3A_7, %scan3A_118 = %broadcast_in_dim3A_7, %scan3A_119 = %broadcast_in_dim3A_7, %scan3A_120 = %broadcast_in_dim3A_7, %scan3A_121 = %broadcast_in_dim3A_7, %scan3A_122 = %broadcast_in_dim3A_7, %scan3A_123 = %broadcast_in_dim3A_7, %scan3A_124 = %broadcast_in_dim3A_7) -> (vector<16xf32>, vector<16xf32>, vector<16xf32>, vector<16xf32>, vector<16xf32>, vector<16xf32>, vector<16xf32>, vector<16xf32>, vector<16xi32>, vector<16xi32>, vector<16xi32>, vector<16xi32>, vector<16xi32>, vector<16xi32>, vector<16xi32>, vector<16xi32>, vector<16xf32>, vector<16xf32>, vector<16xf32>, vector<16xf32>, vector<16xf32>, vector<16xf32>, vector<16xf32>, vector<16xf32>, vector<16xi32>, vector<16xi32>, vector<16xi32>, vector<16xi32>, vector<16xi32>, vector<16xi32>, vector<16xi32>, vector<16xi32>)  : i32 {
        %broadcast_in_dim3A_125 = vector.broadcast %scan3A_92 : i32 to vector<16xi32>
        %get3A = arith.index_cast %scan3A_92 : i32 to index
        %get3A_126 = arith.constant 0 : index
        %get3A_127 = tpu.vector_load %arg4[%get3A, %get3A_126] {strides = array<i32>} : memref<64x128xf32, #tpu.memory_space<vmem>>, vector<1x16xf32>,
        %get3A_128 = vector.shape_cast %get3A_127 : vector<1x16xf32> to vector<16xf32>
        %gt3A = arith.cmpf ogt, %get3A_128, %scan3A_93 : vector<16xf32>
        %gt3A_129 = arith.cmpf ogt, %get3A_128, %scan3A_109 : vector<16xf32>
        %select_n3A = arith.select %gt3A_129, %get3A_128, %scan3A_109 : vector<16xi1>, vector<16xf32>
        %select_n3A_130 = arith.select %gt3A, %scan3A_93, %select_n3A : vector<16xi1>, vector<16xf32>
        %select_n3A_131 = arith.select %gt3A_129, %broadcast_in_dim3A_125, %scan3A_117 : vector<16xi1>, vector<16xi32>
        %select_n3A_132 = arith.select %gt3A, %scan3A_101, %select_n3A_131 : vector<16xi1>, vector<16xi32>
        %select_n3A_133 = arith.select %gt3A, %get3A_128, %scan3A_93 : vector<16xi1>, vector<16xf32>
        %select_n3A_134 = arith.select %gt3A, %broadcast_in_dim3A_125, %scan3A_101 : vector<16xi1>, vector<16xi32>
        %get3A_135 = arith.index_cast %scan3A_92 : i32 to index
        %get3A_136 = arith.constant 16 : index
        %get3A_137 = tpu.vector_load %arg4[%get3A_135, %get3A_136] {strides = array<i32>} : memref<64x128xf32, #tpu.memory_space<vmem>>, vector<1x16xf32>,
        %get3A_138 = vector.shape_cast %get3A_137 : vector<1x16xf32> to vector<16xf32>
        %gt3A_139 = arith.cmpf ogt, %get3A_138, %scan3A_94 : vector<16xf32>
        %gt3A_140 = arith.cmpf ogt, %get3A_138, %scan3A_110 : vector<16xf32>
        %select_n3A_141 = arith.select %gt3A_140, %get3A_138, %scan3A_110 : vector<16xi1>, vector<16xf32>
        %select_n3A_142 = arith.select %gt3A_139, %scan3A_94, %select_n3A_141 : vector<16xi1>, vector<16xf32>
        %select_n3A_143 = arith.select %gt3A_140, %broadcast_in_dim3A_125, %scan3A_118 : vector<16xi1>, vector<16xi32>
        %select_n3A_144 = arith.select %gt3A_139, %scan3A_102, %select_n3A_143 : vector<16xi1>, vector<16xi32>
        %select_n3A_145 = arith.select %gt3A_139, %get3A_138, %scan3A_94 : vector<16xi1>, vector<16xf32>
        %select_n3A_146 = arith.select %gt3A_139, %broadcast_in_dim3A_125, %scan3A_102 : vector<16xi1>, vector<16xi32>
        %get3A_147 = arith.index_cast %scan3A_92 : i32 to index
        %get3A_148 = arith.constant 32 : index
        %get3A_149 = tpu.vector_load %arg4[%get3A_147, %get3A_148] {strides = array<i32>} : memref<64x128xf32, #tpu.memory_space<vmem>>, vector<1x16xf32>,
        %get3A_150 = vector.shape_cast %get3A_149 : vector<1x16xf32> to vector<16xf32>
        %gt3A_151 = arith.cmpf ogt, %get3A_150, %scan3A_95 : vector<16xf32>
        %gt3A_152 = arith.cmpf ogt, %get3A_150, %scan3A_111 : vector<16xf32>
        %select_n3A_153 = arith.select %gt3A_152, %get3A_150, %scan3A_111 : vector<16xi1>, vector<16xf32>
        %select_n3A_154 = arith.select %gt3A_151, %scan3A_95, %select_n3A_153 : vector<16xi1>, vector<16xf32>
        %select_n3A_155 = arith.select %gt3A_152, %broadcast_in_dim3A_125, %scan3A_119 : vector<16xi1>, vector<16xi32>
        %select_n3A_156 = arith.select %gt3A_151, %scan3A_103, %select_n3A_155 : vector<16xi1>, vector<16xi32>
        %select_n3A_157 = arith.select %gt3A_151, %get3A_150, %scan3A_95 : vector<16xi1>, vector<16xf32>
        %select_n3A_158 = arith.select %gt3A_151, %broadcast_in_dim3A_125, %scan3A_103 : vector<16xi1>, vector<16xi32>
        %get3A_159 = arith.index_cast %scan3A_92 : i32 to index
        %get3A_160 = arith.constant 48 : index
        %get3A_161 = tpu.vector_load %arg4[%get3A_159, %get3A_160] {strides = array<i32>} : memref<64x128xf32, #tpu.memory_space<vmem>>, vector<1x16xf32>,
        %get3A_162 = vector.shape_cast %get3A_161 : vector<1x16xf32> to vector<16xf32>
        %gt3A_163 = arith.cmpf ogt, %get3A_162, %scan3A_96 : vector<16xf32>
        %gt3A_164 = arith.cmpf ogt, %get3A_162, %scan3A_112 : vector<16xf32>
        %select_n3A_165 = arith.select %gt3A_164, %get3A_162, %scan3A_112 : vector<16xi1>, vector<16xf32>
        %select_n3A_166 = arith.select %gt3A_163, %scan3A_96, %select_n3A_165 : vector<16xi1>, vector<16xf32>
        %select_n3A_167 = arith.select %gt3A_164, %broadcast_in_dim3A_125, %scan3A_120 : vector<16xi1>, vector<16xi32>
        %select_n3A_168 = arith.select %gt3A_163, %scan3A_104, %select_n3A_167 : vector<16xi1>, vector<16xi32>
        %select_n3A_169 = arith.select %gt3A_163, %get3A_162, %scan3A_96 : vector<16xi1>, vector<16xf32>
        %select_n3A_170 = arith.select %gt3A_163, %broadcast_in_dim3A_125, %scan3A_104 : vector<16xi1>, vector<16xi32>
        %get3A_171 = arith.index_cast %scan3A_92 : i32 to index
        %get3A_172 = arith.constant 64 : index
        %get3A_173 = tpu.vector_load %arg4[%get3A_171, %get3A_172] {strides = array<i32>} : memref<64x128xf32, #tpu.memory_space<vmem>>, vector<1x16xf32>,
        %get3A_174 = vector.shape_cast %get3A_173 : vector<1x16xf32> to vector<16xf32>
        %gt3A_175 = arith.cmpf ogt, %get3A_174, %scan3A_97 : vector<16xf32>
        %gt3A_176 = arith.cmpf ogt, %get3A_174, %scan3A_113 : vector<16xf32>
        %select_n3A_177 = arith.select %gt3A_176, %get3A_174, %scan3A_113 : vector<16xi1>, vector<16xf32>
        %select_n3A_178 = arith.select %gt3A_175, %scan3A_97, %select_n3A_177 : vector<16xi1>, vector<16xf32>
        %select_n3A_179 = arith.select %gt3A_176, %broadcast_in_dim3A_125, %scan3A_121 : vector<16xi1>, vector<16xi32>
        %select_n3A_180 = arith.select %gt3A_175, %scan3A_105, %select_n3A_179 : vector<16xi1>, vector<16xi32>
        %select_n3A_181 = arith.select %gt3A_175, %get3A_174, %scan3A_97 : vector<16xi1>, vector<16xf32>
        %select_n3A_182 = arith.select %gt3A_175, %broadcast_in_dim3A_125, %scan3A_105 : vector<16xi1>, vector<16xi32>
        %get3A_183 = arith.index_cast %scan3A_92 : i32 to index
        %get3A_184 = arith.constant 80 : index
        %get3A_185 = tpu.vector_load %arg4[%get3A_183, %get3A_184] {strides = array<i32>} : memref<64x128xf32, #tpu.memory_space<vmem>>, vector<1x16xf32>,
        %get3A_186 = vector.shape_cast %get3A_185 : vector<1x16xf32> to vector<16xf32>
        %gt3A_187 = arith.cmpf ogt, %get3A_186, %scan3A_98 : vector<16xf32>
        %gt3A_188 = arith.cmpf ogt, %get3A_186, %scan3A_114 : vector<16xf32>
        %select_n3A_189 = arith.select %gt3A_188, %get3A_186, %scan3A_114 : vector<16xi1>, vector<16xf32>
        %select_n3A_190 = arith.select %gt3A_187, %scan3A_98, %select_n3A_189 : vector<16xi1>, vector<16xf32>
        %select_n3A_191 = arith.select %gt3A_188, %broadcast_in_dim3A_125, %scan3A_122 : vector<16xi1>, vector<16xi32>
        %select_n3A_192 = arith.select %gt3A_187, %scan3A_106, %select_n3A_191 : vector<16xi1>, vector<16xi32>
        %select_n3A_193 = arith.select %gt3A_187, %get3A_186, %scan3A_98 : vector<16xi1>, vector<16xf32>
        %select_n3A_194 = arith.select %gt3A_187, %broadcast_in_dim3A_125, %scan3A_106 : vector<16xi1>, vector<16xi32>
        %get3A_195 = arith.index_cast %scan3A_92 : i32 to index
        %get3A_196 = arith.constant 96 : index
        %get3A_197 = tpu.vector_load %arg4[%get3A_195, %get3A_196] {strides = array<i32>} : memref<64x128xf32, #tpu.memory_space<vmem>>, vector<1x16xf32>,
        %get3A_198 = vector.shape_cast %get3A_197 : vector<1x16xf32> to vector<16xf32>
        %gt3A_199 = arith.cmpf ogt, %get3A_198, %scan3A_99 : vector<16xf32>
        %gt3A_200 = arith.cmpf ogt, %get3A_198, %scan3A_115 : vector<16xf32>
        %select_n3A_201 = arith.select %gt3A_200, %get3A_198, %scan3A_115 : vector<16xi1>, vector<16xf32>
        %select_n3A_202 = arith.select %gt3A_199, %scan3A_99, %select_n3A_201 : vector<16xi1>, vector<16xf32>
        %select_n3A_203 = arith.select %gt3A_200, %broadcast_in_dim3A_125, %scan3A_123 : vector<16xi1>, vector<16xi32>
        %select_n3A_204 = arith.select %gt3A_199, %scan3A_107, %select_n3A_203 : vector<16xi1>, vector<16xi32>
        %select_n3A_205 = arith.select %gt3A_199, %get3A_198, %scan3A_99 : vector<16xi1>, vector<16xf32>
        %select_n3A_206 = arith.select %gt3A_199, %broadcast_in_dim3A_125, %scan3A_107 : vector<16xi1>, vector<16xi32>
        %get3A_207 = arith.index_cast %scan3A_92 : i32 to index
        %get3A_208 = arith.constant 112 : index
        %get3A_209 = tpu.vector_load %arg4[%get3A_207, %get3A_208] {strides = array<i32>} : memref<64x128xf32, #tpu.memory_space<vmem>>, vector<1x16xf32>,
        %get3A_210 = vector.shape_cast %get3A_209 : vector<1x16xf32> to vector<16xf32>
        %gt3A_211 = arith.cmpf ogt, %get3A_210, %scan3A_100 : vector<16xf32>
        %gt3A_212 = arith.cmpf ogt, %get3A_210, %scan3A_116 : vector<16xf32>
        %select_n3A_213 = arith.select %gt3A_212, %get3A_210, %scan3A_116 : vector<16xi1>, vector<16xf32>
        %select_n3A_214 = arith.select %gt3A_211, %scan3A_100, %select_n3A_213 : vector<16xi1>, vector<16xf32>
        %select_n3A_215 = arith.select %gt3A_212, %broadcast_in_dim3A_125, %scan3A_124 : vector<16xi1>, vector<16xi32>
        %select_n3A_216 = arith.select %gt3A_211, %scan3A_108, %select_n3A_215 : vector<16xi1>, vector<16xi32>
        %select_n3A_217 = arith.select %gt3A_211, %get3A_210, %scan3A_100 : vector<16xi1>, vector<16xf32>
        %select_n3A_218 = arith.select %gt3A_211, %broadcast_in_dim3A_125, %scan3A_108 : vector<16xi1>, vector<16xi32>
        scf.yield %select_n3A_133, %select_n3A_145, %select_n3A_157, %select_n3A_169, %select_n3A_181, %select_n3A_193, %select_n3A_205, %select_n3A_217, %select_n3A_134, %select_n3A_146, %select_n3A_158, %select_n3A_170, %select_n3A_182, %select_n3A_194, %select_n3A_206, %select_n3A_218, %select_n3A_130, %select_n3A_142, %select_n3A_154, %select_n3A_166, %select_n3A_178, %select_n3A_190, %select_n3A_202, %select_n3A_214, %select_n3A_132, %select_n3A_144, %select_n3A_156, %select_n3A_168, %select_n3A_180, %select_n3A_192, %select_n3A_204, %select_n3A_216 : vector<16xf32>, vector<16xf32>, vector<16xf32>, vector<16xf32>, vector<16xf32>, vector<16xf32>, vector<16xf32>, vector<16xf32>, vector<16xi32>, vector<16xi32>, vector<16xi32>, vector<16xi32>, vector<16xi32>, vector<16xi32>, vector<16xi32>, vector<16xi32>, vector<16xf32>, vector<16xf32>, vector<16xf32>, vector<16xf32>, vector<16xf32>, vector<16xf32>, vector<16xf32>, vector<16xf32>, vector<16xi32>, vector<16xi32>, vector<16xi32>, vector<16xi32>, vector<16xi32>, vector<16xi32>, vector<16xi32>, vector<16xi32>
      }
      %scan3A_12 = arith.constant 64 : i32
      %add3A_13 = arith.addf %scan3A_11#0, %scan3A_11#16 : vector<16xf32>
      %div3A = arith.divf %scan3A_11#0, %add3A_13 : vector<16xf32>
      %add3A_14 = arith.constant 2.000000e+00 : f32
      %add3A_15 = vector.broadcast %add3A_14 : f32 to vector<16xf32>
      %add3A_16 = arith.addf %div3A, %add3A_15 : vector<16xf32>
      %div3A_17 = arith.divf %scan3A_11#16, %add3A_13 : vector<16xf32>
      %add3A_18 = arith.constant 2.000000e+00 : f32
      %add3A_19 = vector.broadcast %add3A_18 : f32 to vector<16xf32>
      %add3A_20 = arith.addf %div3A_17, %add3A_19 : vector<16xf32>
      %add3A_21 = arith.addf %scan3A_11#1, %scan3A_11#17 : vector<16xf32>
      %div3A_22 = arith.divf %scan3A_11#1, %add3A_21 : vector<16xf32>
      %add3A_23 = arith.constant 2.000000e+00 : f32
      %add3A_24 = vector.broadcast %add3A_23 : f32 to vector<16xf32>
      %add3A_25 = arith.addf %div3A_22, %add3A_24 : vector<16xf32>
      %div3A_26 = arith.divf %scan3A_11#17, %add3A_21 : vector<16xf32>
      %add3A_27 = arith.constant 2.000000e+00 : f32
      %add3A_28 = vector.broadcast %add3A_27 : f32 to vector<16xf32>
      %add3A_29 = arith.addf %div3A_26, %add3A_28 : vector<16xf32>
      %add3A_30 = arith.addf %scan3A_11#2, %scan3A_11#18 : vector<16xf32>
      %div3A_31 = arith.divf %scan3A_11#2, %add3A_30 : vector<16xf32>
      %add3A_32 = arith.constant 2.000000e+00 : f32
      %add3A_33 = vector.broadcast %add3A_32 : f32 to vector<16xf32>
      %add3A_34 = arith.addf %div3A_31, %add3A_33 : vector<16xf32>
      %div3A_35 = arith.divf %scan3A_11#18, %add3A_30 : vector<16xf32>
      %add3A_36 = arith.constant 2.000000e+00 : f32
      %add3A_37 = vector.broadcast %add3A_36 : f32 to vector<16xf32>
      %add3A_38 = arith.addf %div3A_35, %add3A_37 : vector<16xf32>
      %add3A_39 = arith.addf %scan3A_11#3, %scan3A_11#19 : vector<16xf32>
      %div3A_40 = arith.divf %scan3A_11#3, %add3A_39 : vector<16xf32>
      %add3A_41 = arith.constant 2.000000e+00 : f32
      %add3A_42 = vector.broadcast %add3A_41 : f32 to vector<16xf32>
      %add3A_43 = arith.addf %div3A_40, %add3A_42 : vector<16xf32>
      %div3A_44 = arith.divf %scan3A_11#19, %add3A_39 : vector<16xf32>
      %add3A_45 = arith.constant 2.000000e+00 : f32
      %add3A_46 = vector.broadcast %add3A_45 : f32 to vector<16xf32>
      %add3A_47 = arith.addf %div3A_44, %add3A_46 : vector<16xf32>
      %add3A_48 = arith.addf %scan3A_11#4, %scan3A_11#20 : vector<16xf32>
      %div3A_49 = arith.divf %scan3A_11#4, %add3A_48 : vector<16xf32>
      %add3A_50 = arith.constant 2.000000e+00 : f32
      %add3A_51 = vector.broadcast %add3A_50 : f32 to vector<16xf32>
      %add3A_52 = arith.addf %div3A_49, %add3A_51 : vector<16xf32>
      %div3A_53 = arith.divf %scan3A_11#20, %add3A_48 : vector<16xf32>
      %add3A_54 = arith.constant 2.000000e+00 : f32
      %add3A_55 = vector.broadcast %add3A_54 : f32 to vector<16xf32>
      %add3A_56 = arith.addf %div3A_53, %add3A_55 : vector<16xf32>
      %add3A_57 = arith.addf %scan3A_11#5, %scan3A_11#21 : vector<16xf32>
      %div3A_58 = arith.divf %scan3A_11#5, %add3A_57 : vector<16xf32>
      %add3A_59 = arith.constant 2.000000e+00 : f32
      %add3A_60 = vector.broadcast %add3A_59 : f32 to vector<16xf32>
      %add3A_61 = arith.addf %div3A_58, %add3A_60 : vector<16xf32>
      %div3A_62 = arith.divf %scan3A_11#21, %add3A_57 : vector<16xf32>
      %add3A_63 = arith.constant 2.000000e+00 : f32
      %add3A_64 = vector.broadcast %add3A_63 : f32 to vector<16xf32>
      %add3A_65 = arith.addf %div3A_62, %add3A_64 : vector<16xf32>
      %add3A_66 = arith.addf %scan3A_11#6, %scan3A_11#22 : vector<16xf32>
      %div3A_67 = arith.divf %scan3A_11#6, %add3A_66 : vector<16xf32>
      %add3A_68 = arith.constant 2.000000e+00 : f32
      %add3A_69 = vector.broadcast %add3A_68 : f32 to vector<16xf32>
      %add3A_70 = arith.addf %div3A_67, %add3A_69 : vector<16xf32>
      %div3A_71 = arith.divf %scan3A_11#22, %add3A_66 : vector<16xf32>
      %add3A_72 = arith.constant 2.000000e+00 : f32
      %add3A_73 = vector.broadcast %add3A_72 : f32 to vector<16xf32>
      %add3A_74 = arith.addf %div3A_71, %add3A_73 : vector<16xf32>
      %add3A_75 = arith.addf %scan3A_11#7, %scan3A_11#23 : vector<16xf32>
      %div3A_76 = arith.divf %scan3A_11#7, %add3A_75 : vector<16xf32>
      %add3A_77 = arith.constant 2.000000e+00 : f32
      %add3A_78 = vector.broadcast %add3A_77 : f32 to vector<16xf32>
      %add3A_79 = arith.addf %div3A_76, %add3A_78 : vector<16xf32>
      %div3A_80 = arith.divf %scan3A_11#23, %add3A_75 : vector<16xf32>
      %add3A_81 = arith.constant 2.000000e+00 : f32
      %add3A_82 = vector.broadcast %add3A_81 : f32 to vector<16xf32>
      %add3A_83 = arith.addf %div3A_80, %add3A_82 : vector<16xf32>
      %broadcast_in_dim3A_84 = arith.constant 0.000000e+00 : f32
      %broadcast_in_dim3A_85 = vector.broadcast %broadcast_in_dim3A_84 : f32 to vector<16xf32>
      %scan3A_86 = arith.constant 0 : i32
      %scan3A_87 = arith.constant 0 : i32
      %scan3A_88 = arith.constant 64 : i32
      %scan3A_89 = arith.addi %scan3A_87, %scan3A_88 : i32
      %scan3A_90 = arith.constant 1 : i32
      scf.for %scan3A_92 = %scan3A_87 to %scan3A_89 step %scan3A_90  : i32 {
        %broadcast_in_dim3A_93 = vector.broadcast %scan3A_92 : i32 to vector<16xi32>
        %eq3A = arith.cmpi eq, %scan3A_11#8, %broadcast_in_dim3A_93 : vector<16xi32>
        %select_n3A = arith.select %eq3A, %add3A_16, %broadcast_in_dim3A_85 : vector<16xi1>, vector<16xf32>
        %eq3A_94 = arith.cmpi eq, %scan3A_11#24, %broadcast_in_dim3A_93 : vector<16xi32>
        %select_n3A_95 = arith.select %eq3A_94, %add3A_20, %broadcast_in_dim3A_85 : vector<16xi1>, vector<16xf32>
        %add3A_96 = arith.addf %select_n3A, %select_n3A_95 : vector<16xf32>
        %swap3A = arith.index_cast %scan3A_92 : i32 to index
        %swap3A_97 = arith.constant 0 : index
        %swap3A_98 = tpu.vector_load %arg5[%swap3A, %swap3A_97] {strides = array<i32>} : memref<64x128xf32, #tpu.memory_space<vmem>>, vector<1x16xf32>,
        %swap3A_99 = vector.shape_cast %swap3A_98 : vector<1x16xf32> to vector<16xf32>
        %swap3A_100 = vector.shape_cast %add3A_96 : vector<16xf32> to vector<1x16xf32>
        tpu.vector_store %arg5[%swap3A, %swap3A_97], %swap3A_100 {strides = array<i32>} : memref<64x128xf32, #tpu.memory_space<vmem>>, vector<1x16xf32>,
        %eq3A_101 = arith.cmpi eq, %scan3A_11#9, %broadcast_in_dim3A_93 : vector<16xi32>
        %select_n3A_102 = arith.select %eq3A_101, %add3A_25, %broadcast_in_dim3A_85 : vector<16xi1>, vector<16xf32>
        %eq3A_103 = arith.cmpi eq, %scan3A_11#25, %broadcast_in_dim3A_93 : vector<16xi32>
        %select_n3A_104 = arith.select %eq3A_103, %add3A_29, %broadcast_in_dim3A_85 : vector<16xi1>, vector<16xf32>
        %add3A_105 = arith.addf %select_n3A_102, %select_n3A_104 : vector<16xf32>
        %swap3A_106 = arith.index_cast %scan3A_92 : i32 to index
        %swap3A_107 = arith.constant 16 : index
        %swap3A_108 = tpu.vector_load %arg5[%swap3A_106, %swap3A_107] {strides = array<i32>} : memref<64x128xf32, #tpu.memory_space<vmem>>, vector<1x16xf32>,
        %swap3A_109 = vector.shape_cast %swap3A_108 : vector<1x16xf32> to vector<16xf32>
        %swap3A_110 = vector.shape_cast %add3A_105 : vector<16xf32> to vector<1x16xf32>
        tpu.vector_store %arg5[%swap3A_106, %swap3A_107], %swap3A_110 {strides = array<i32>} : memref<64x128xf32, #tpu.memory_space<vmem>>, vector<1x16xf32>,
        %eq3A_111 = arith.cmpi eq, %scan3A_11#10, %broadcast_in_dim3A_93 : vector<16xi32>
        %select_n3A_112 = arith.select %eq3A_111, %add3A_34, %broadcast_in_dim3A_85 : vector<16xi1>, vector<16xf32>
        %eq3A_113 = arith.cmpi eq, %scan3A_11#26, %broadcast_in_dim3A_93 : vector<16xi32>
        %select_n3A_114 = arith.select %eq3A_113, %add3A_38, %broadcast_in_dim3A_85 : vector<16xi1>, vector<16xf32>
        %add3A_115 = arith.addf %select_n3A_112, %select_n3A_114 : vector<16xf32>
        %swap3A_116 = arith.index_cast %scan3A_92 : i32 to index
        %swap3A_117 = arith.constant 32 : index
        %swap3A_118 = tpu.vector_load %arg5[%swap3A_116, %swap3A_117] {strides = array<i32>} : memref<64x128xf32, #tpu.memory_space<vmem>>, vector<1x16xf32>,
        %swap3A_119 = vector.shape_cast %swap3A_118 : vector<1x16xf32> to vector<16xf32>
        %swap3A_120 = vector.shape_cast %add3A_115 : vector<16xf32> to vector<1x16xf32>
        tpu.vector_store %arg5[%swap3A_116, %swap3A_117], %swap3A_120 {strides = array<i32>} : memref<64x128xf32, #tpu.memory_space<vmem>>, vector<1x16xf32>,
        %eq3A_121 = arith.cmpi eq, %scan3A_11#11, %broadcast_in_dim3A_93 : vector<16xi32>
        %select_n3A_122 = arith.select %eq3A_121, %add3A_43, %broadcast_in_dim3A_85 : vector<16xi1>, vector<16xf32>
        %eq3A_123 = arith.cmpi eq, %scan3A_11#27, %broadcast_in_dim3A_93 : vector<16xi32>
        %select_n3A_124 = arith.select %eq3A_123, %add3A_47, %broadcast_in_dim3A_85 : vector<16xi1>, vector<16xf32>
        %add3A_125 = arith.addf %select_n3A_122, %select_n3A_124 : vector<16xf32>
        %swap3A_126 = arith.index_cast %scan3A_92 : i32 to index
        %swap3A_127 = arith.constant 48 : index
        %swap3A_128 = tpu.vector_load %arg5[%swap3A_126, %swap3A_127] {strides = array<i32>} : memref<64x128xf32, #tpu.memory_space<vmem>>, vector<1x16xf32>,
        %swap3A_129 = vector.shape_cast %swap3A_128 : vector<1x16xf32> to vector<16xf32>
        %swap3A_130 = vector.shape_cast %add3A_125 : vector<16xf32> to vector<1x16xf32>
        tpu.vector_store %arg5[%swap3A_126, %swap3A_127], %swap3A_130 {strides = array<i32>} : memref<64x128xf32, #tpu.memory_space<vmem>>, vector<1x16xf32>,
        %eq3A_131 = arith.cmpi eq, %scan3A_11#12, %broadcast_in_dim3A_93 : vector<16xi32>
        %select_n3A_132 = arith.select %eq3A_131, %add3A_52, %broadcast_in_dim3A_85 : vector<16xi1>, vector<16xf32>
        %eq3A_133 = arith.cmpi eq, %scan3A_11#28, %broadcast_in_dim3A_93 : vector<16xi32>
        %select_n3A_134 = arith.select %eq3A_133, %add3A_56, %broadcast_in_dim3A_85 : vector<16xi1>, vector<16xf32>
        %add3A_135 = arith.addf %select_n3A_132, %select_n3A_134 : vector<16xf32>
        %swap3A_136 = arith.index_cast %scan3A_92 : i32 to index
        %swap3A_137 = arith.constant 64 : index
        %swap3A_138 = tpu.vector_load %arg5[%swap3A_136, %swap3A_137] {strides = array<i32>} : memref<64x128xf32, #tpu.memory_space<vmem>>, vector<1x16xf32>,
        %swap3A_139 = vector.shape_cast %swap3A_138 : vector<1x16xf32> to vector<16xf32>
        %swap3A_140 = vector.shape_cast %add3A_135 : vector<16xf32> to vector<1x16xf32>
        tpu.vector_store %arg5[%swap3A_136, %swap3A_137], %swap3A_140 {strides = array<i32>} : memref<64x128xf32, #tpu.memory_space<vmem>>, vector<1x16xf32>,
        %eq3A_141 = arith.cmpi eq, %scan3A_11#13, %broadcast_in_dim3A_93 : vector<16xi32>
        %select_n3A_142 = arith.select %eq3A_141, %add3A_61, %broadcast_in_dim3A_85 : vector<16xi1>, vector<16xf32>
        %eq3A_143 = arith.cmpi eq, %scan3A_11#29, %broadcast_in_dim3A_93 : vector<16xi32>
        %select_n3A_144 = arith.select %eq3A_143, %add3A_65, %broadcast_in_dim3A_85 : vector<16xi1>, vector<16xf32>
        %add3A_145 = arith.addf %select_n3A_142, %select_n3A_144 : vector<16xf32>
        %swap3A_146 = arith.index_cast %scan3A_92 : i32 to index
        %swap3A_147 = arith.constant 80 : index
        %swap3A_148 = tpu.vector_load %arg5[%swap3A_146, %swap3A_147] {strides = array<i32>} : memref<64x128xf32, #tpu.memory_space<vmem>>, vector<1x16xf32>,
        %swap3A_149 = vector.shape_cast %swap3A_148 : vector<1x16xf32> to vector<16xf32>
        %swap3A_150 = vector.shape_cast %add3A_145 : vector<16xf32> to vector<1x16xf32>
        tpu.vector_store %arg5[%swap3A_146, %swap3A_147], %swap3A_150 {strides = array<i32>} : memref<64x128xf32, #tpu.memory_space<vmem>>, vector<1x16xf32>,
        %eq3A_151 = arith.cmpi eq, %scan3A_11#14, %broadcast_in_dim3A_93 : vector<16xi32>
        %select_n3A_152 = arith.select %eq3A_151, %add3A_70, %broadcast_in_dim3A_85 : vector<16xi1>, vector<16xf32>
        %eq3A_153 = arith.cmpi eq, %scan3A_11#30, %broadcast_in_dim3A_93 : vector<16xi32>
        %select_n3A_154 = arith.select %eq3A_153, %add3A_74, %broadcast_in_dim3A_85 : vector<16xi1>, vector<16xf32>
        %add3A_155 = arith.addf %select_n3A_152, %select_n3A_154 : vector<16xf32>
        %swap3A_156 = arith.index_cast %scan3A_92 : i32 to index
        %swap3A_157 = arith.constant 96 : index
        %swap3A_158 = tpu.vector_load %arg5[%swap3A_156, %swap3A_157] {strides = array<i32>} : memref<64x128xf32, #tpu.memory_space<vmem>>, vector<1x16xf32>,
        %swap3A_159 = vector.shape_cast %swap3A_158 : vector<1x16xf32> to vector<16xf32>
        %swap3A_160 = vector.shape_cast %add3A_155 : vector<16xf32> to vector<1x16xf32>
        tpu.vector_store %arg5[%swap3A_156, %swap3A_157], %swap3A_160 {strides = array<i32>} : memref<64x128xf32, #tpu.memory_space<vmem>>, vector<1x16xf32>,
        %eq3A_161 = arith.cmpi eq, %scan3A_11#15, %broadcast_in_dim3A_93 : vector<16xi32>
        %select_n3A_162 = arith.select %eq3A_161, %add3A_79, %broadcast_in_dim3A_85 : vector<16xi1>, vector<16xf32>
        %eq3A_163 = arith.cmpi eq, %scan3A_11#31, %broadcast_in_dim3A_93 : vector<16xi32>
        %select_n3A_164 = arith.select %eq3A_163, %add3A_83, %broadcast_in_dim3A_85 : vector<16xi1>, vector<16xf32>
        %add3A_165 = arith.addf %select_n3A_162, %select_n3A_164 : vector<16xf32>
        %swap3A_166 = arith.index_cast %scan3A_92 : i32 to index
        %swap3A_167 = arith.constant 112 : index
        %swap3A_168 = tpu.vector_load %arg5[%swap3A_166, %swap3A_167] {strides = array<i32>} : memref<64x128xf32, #tpu.memory_space<vmem>>, vector<1x16xf32>,
        %swap3A_169 = vector.shape_cast %swap3A_168 : vector<1x16xf32> to vector<16xf32>
        %swap3A_170 = vector.shape_cast %add3A_165 : vector<16xf32> to vector<1x16xf32>
        tpu.vector_store %arg5[%swap3A_166, %swap3A_167], %swap3A_170 {strides = array<i32>} : memref<64x128xf32, #tpu.memory_space<vmem>>, vector<1x16xf32>,
      }
      %scan3A_91 = arith.constant 64 : i32
      "tpu.region"() ({
        %run_scoped3A = tpu.sem_alloc : memref<!tpu.dma_semaphore, #tpu.memory_space<semaphore_mem>>
        %dma_start3A = arith.constant 0 : i32
        %dma_start3A_92 = tpu.memref_slice %arg3[%dma_start3A, %mul3A_4] : memref<64x2048xf32, #tpu.memory_space<hbm>> -> memref<64x128xf32, #tpu.memory_space<hbm>>
        %dma_start3A_93 = arith.constant 0 : i32
        %dma_start3A_94 = tpu.memref_slice %arg3[%dma_start3A_93, %mul3A_4] : memref<64x2048xf32, #tpu.memory_space<hbm>> -> memref<64x128xf32, #tpu.memory_space<hbm>>
        tpu.enqueue_dma source(%arg5 : memref<64x128xf32, #tpu.memory_space<vmem>>) target(%dma_start3A_94 : memref<64x128xf32, #tpu.memory_space<hbm>>) target_semaphore(%run_scoped3A : memref<!tpu.dma_semaphore, #tpu.memory_space<semaphore_mem>>)
        %dma_wait3A = arith.constant 0 : i32
        %dma_wait3A_95 = tpu.memref_slice %arg3[%dma_wait3A, %mul3A_4] : memref<64x2048xf32, #tpu.memory_space<hbm>> -> memref<64x128xf32, #tpu.memory_space<hbm>>
        %dma_wait3A_96 = arith.constant 0 : i32
        %dma_wait3A_97 = tpu.memref_slice %arg3[%dma_wait3A_96, %mul3A_4] : memref<64x2048xf32, #tpu.memory_space<hbm>> -> memref<64x128xf32, #tpu.memory_space<hbm>>
        tpu.wait_dma2 semaphore(%run_scoped3A : memref<!tpu.dma_semaphore, #tpu.memory_space<semaphore_mem>>) src(%arg5 : memref<64x128xf32, #tpu.memory_space<vmem>>) dst(%dma_wait3A_97 : memref<64x128xf32, #tpu.memory_space<hbm>>)
        tpu.yield
      }) : () -> ()
    } else {
    }
    return
  }
}

module attributes {stable_mosaic.version = 14 : i64} {
  func.func @_router_kernel(%arg0: memref<2048x768xf32, #tpu.memory_space<vmem>>, %arg1: memref<768x64xf32, #tpu.memory_space<vmem>>, %arg2: memref<64x2048xf32, #tpu.memory_space<vmem>>, %arg3: memref<1x64xf32, #tpu.memory_space<vmem>>) attributes {dimension_semantics = [], scalar_prefetch = 0 : i64, scratch_operands = 0 : i64, tpu.core_type = #tpu.core_type<tc>} {
    %get3A = arith.constant 0 : index
    %get3A_0 = arith.constant 0 : index
    %get3A_1 = vector.load %arg0[%get3A, %get3A_0] : memref<2048x768xf32, #tpu.memory_space<vmem>>, vector<2048x768xf32>
    %get3A_2 = arith.constant 0 : index
    %get3A_3 = arith.constant 0 : index
    %get3A_4 = vector.load %arg1[%get3A_2, %get3A_3] : memref<768x64xf32, #tpu.memory_space<vmem>>, vector<768x64xf32>
    %dot_general3A = arith.constant dense<0.000000e+00> : vector<2048x64xf32>
    %dot_general3A_5 = tpu.matmul %get3A_1, %get3A_4, %dot_general3A {dimension_numbers = #tpu.dot_dimension_numbers<[1], [0], [0], [1], [0, 0, 1, 1], [], []>, transpose_lhs_hint = false} : vector<2048x768xf32>, vector<768x64xf32>, vector<2048x64xf32> -> vector<2048x64xf32>
    %reduce_max3A = arith.constant dense<0xFF800000> : vector<2048xf32>
    %reduce_max3A_6 = vector.multi_reduction <maximumf>, %dot_general3A_5, %reduce_max3A [1] : vector<2048x64xf32> to vector<2048xf32>
    %broadcast_in_dim3A = vector.shape_cast %reduce_max3A_6 : vector<2048xf32> to vector<2048x1xf32>
    %sub3A = vector.broadcast %broadcast_in_dim3A : vector<2048x1xf32> to vector<2048x64xf32>
    %sub3A_7 = arith.subf %dot_general3A_5, %sub3A : vector<2048x64xf32>
    %exp3A = math.exp %sub3A_7 : vector<2048x64xf32>
    %reduce_sum3A = arith.constant dense<0.000000e+00> : vector<2048xf32>
    %reduce_sum3A_8 = vector.multi_reduction <add>, %exp3A, %reduce_sum3A [1] : vector<2048x64xf32> to vector<2048xf32>
    %broadcast_in_dim3A_9 = vector.shape_cast %reduce_sum3A_8 : vector<2048xf32> to vector<2048x1xf32>
    %div3A = vector.broadcast %broadcast_in_dim3A_9 : vector<2048x1xf32> to vector<2048x64xf32>
    %div3A_10 = arith.divf %exp3A, %div3A : vector<2048x64xf32>
    %transpose3A = tpu.transpose %div3A_10, [1, 0] : vector<2048x64xf32> -> vector<64x2048xf32>
    %swap3A = arith.constant 0 : index
    %swap3A_11 = arith.constant 0 : index
    %swap3A_12 = vector.load %arg2[%swap3A, %swap3A_11] : memref<64x2048xf32, #tpu.memory_space<vmem>>, vector<64x2048xf32>
    tpu.vector_store %arg2[%swap3A, %swap3A_11], %transpose3A {strides = array<i32>} : memref<64x2048xf32, #tpu.memory_space<vmem>>, vector<64x2048xf32>,
    %reduce_sum3A_13 = arith.constant dense<0.000000e+00> : vector<64xf32>
    %reduce_sum3A_14 = vector.multi_reduction <add>, %div3A_10, %reduce_sum3A_13 [0] : vector<2048x64xf32> to vector<64xf32>
    %broadcast_in_dim3A_15 = vector.shape_cast %reduce_sum3A_14 : vector<64xf32> to vector<1x64xf32>
    %swap3A_16 = arith.constant 0 : index
    %swap3A_17 = arith.constant 0 : index
    %swap3A_18 = vector.load %arg3[%swap3A_16, %swap3A_17] : memref<1x64xf32, #tpu.memory_space<vmem>>, vector<1x64xf32>
    tpu.vector_store %arg3[%swap3A_16, %swap3A_17], %broadcast_in_dim3A_15 {strides = array<i32>} : memref<1x64xf32, #tpu.memory_space<vmem>>, vector<1x64xf32>,
    return
  }
}

module attributes {stable_mosaic.version = 14 : i64} {
  func.func @_ffn_kernel(%arg0: i32, %arg1: memref<2048x768xf32, #tpu.memory_space<vmem>>, %arg2: memref<64x2048xf32, #tpu.memory_space<vmem>>, %arg3: memref<1x64xf32, #tpu.memory_space<vmem>>, %arg4: memref<768x1024xf32, #tpu.memory_space<vmem>>, %arg5: memref<1024x768xf32, #tpu.memory_space<vmem>>, %arg6: memref<2048x768xf32, #tpu.memory_space<vmem>>, %arg7: memref<1x1xf32, #tpu.memory_space<vmem>>, %arg8: memref<2048x64xf32, #tpu.memory_space<vmem>>) attributes {dimension_semantics = [#tpu.dimension_semantics<arbitrary>], iteration_bounds = array<i64: 4>, scalar_prefetch = 0 : i64, scratch_operands = 1 : i64, tpu.core_type = #tpu.core_type<tc>, window_params = [{pipeline_mode = #tpu.pipeline_mode<synchronous>, transform_indices = @transform_0, window_bounds = array<i64: 2048, 768>}, {pipeline_mode = #tpu.pipeline_mode<synchronous>, transform_indices = @transform_1, window_bounds = array<i64: 64, 2048>}, {pipeline_mode = #tpu.pipeline_mode<synchronous>, transform_indices = @transform_2, window_bounds = array<i64: 1, 64>}, {transform_indices = @transform_3, window_bounds = array<i64: 768, 1024>}, {transform_indices = @transform_4, window_bounds = array<i64: 1024, 768>}, {pipeline_mode = #tpu.pipeline_mode<synchronous>, transform_indices = @transform_5, window_bounds = array<i64: 2048, 768>}, {pipeline_mode = #tpu.pipeline_mode<synchronous>, transform_indices = @transform_6, window_bounds = array<i64: 1, 1>}]} {
    %eq3A = arith.constant 0 : i32
    %eq3A_0 = arith.cmpi eq, %arg0, %eq3A : i32
    %convert_element_type3A = arith.extui %eq3A_0 : i1 to i32
    %cond3A = arith.constant 0 : i32
    %cond3A_1 = arith.cmpi ne, %convert_element_type3A, %cond3A : i32
    scf.if %cond3A_1 {
      %get3A_67 = arith.constant 0 : index
      %get3A_68 = arith.constant 0 : index
      %get3A_69 = vector.load %arg2[%get3A_67, %get3A_68] : memref<64x2048xf32, #tpu.memory_space<vmem>>, vector<64x2048xf32>
      %gt3A_70 = arith.constant 1.500000e+00 : f32
      %gt3A_71 = vector.broadcast %gt3A_70 : f32 to vector<64x2048xf32>
      %gt3A_72 = arith.cmpf ogt, %get3A_69, %gt3A_71 : vector<64x2048xf32>
      %convert_element_type3A_73 = arith.extui %gt3A_72 : vector<64x2048xi1> to vector<64x2048xi32>
      %convert_element_type3A_74 = arith.sitofp %convert_element_type3A_73 : vector<64x2048xi32> to vector<64x2048xf32>
      %mul3A_75 = arith.constant 2.000000e+00 : f32
      %mul3A_76 = vector.broadcast %mul3A_75 : f32 to vector<64x2048xf32>
      %mul3A_77 = arith.mulf %mul3A_76, %convert_element_type3A_74 : vector<64x2048xf32>
      %sub3A_78 = arith.subf %get3A_69, %mul3A_77 : vector<64x2048xf32>
      %transpose3A = tpu.transpose %sub3A_78, [1, 0] : vector<64x2048xf32> -> vector<2048x64xf32>
      %swap3A = arith.constant 0 : index
      %swap3A_79 = arith.constant 0 : index
      %swap3A_80 = vector.load %arg8[%swap3A, %swap3A_79] : memref<2048x64xf32, #tpu.memory_space<vmem>>, vector<2048x64xf32>
      tpu.vector_store %arg8[%swap3A, %swap3A_79], %transpose3A {strides = array<i32>} : memref<2048x64xf32, #tpu.memory_space<vmem>>, vector<2048x64xf32>,
      %reduce_sum3A = arith.constant dense<0.000000e+00> : vector<64xf32>
      %reduce_sum3A_81 = vector.multi_reduction <add>, %convert_element_type3A_74, %reduce_sum3A [1] : vector<64x2048xf32> to vector<64xf32>
      %broadcast_in_dim3A = vector.shape_cast %reduce_sum3A_81 : vector<64xf32> to vector<64x1xf32>
      %get3A_82 = arith.constant 0 : index
      %get3A_83 = arith.constant 0 : index
      %get3A_84 = vector.load %arg3[%get3A_82, %get3A_83] : memref<1x64xf32, #tpu.memory_space<vmem>>, vector<1x64xf32>
      %dot_general3A_85 = arith.constant dense<0.000000e+00> : vector<1x1xf32>
      %dot_general3A_86 = tpu.matmul %get3A_84, %broadcast_in_dim3A, %dot_general3A_85 {dimension_numbers = #tpu.dot_dimension_numbers<[1], [0], [0], [1], [0, 0, 1, 1], [], []>, transpose_lhs_hint = false} : vector<1x64xf32>, vector<64x1xf32>, vector<1x1xf32> -> vector<1x1xf32>
      %mul3A_87 = arith.constant 1.52587891E-5 : f32
      %mul3A_88 = vector.broadcast %mul3A_87 : f32 to vector<1x1xf32>
      %mul3A_89 = arith.mulf %mul3A_88, %dot_general3A_86 : vector<1x1xf32>
      %swap3A_90 = arith.constant 0 : index
      %swap3A_91 = arith.constant 0 : index
      %swap3A_92 = vector.load %arg7[%swap3A_90, %swap3A_91] : memref<1x1xf32, #tpu.memory_space<vmem>>, vector<1x1xf32>
      tpu.vector_store %arg7[%swap3A_90, %swap3A_91], %mul3A_89 {strides = array<i32>} : memref<1x1xf32, #tpu.memory_space<vmem>>, vector<1x1xf32>,
    } else {
    }
    %get3A = arith.constant 0 : index
    %get3A_2 = arith.constant 0 : index
    %get3A_3 = vector.load %arg1[%get3A, %get3A_2] : memref<2048x768xf32, #tpu.memory_space<vmem>>, vector<2048x768xf32>
    %get3A_4 = arith.constant 0 : index
    %get3A_5 = arith.constant 0 : index
    %get3A_6 = vector.load %arg4[%get3A_4, %get3A_5] : memref<768x1024xf32, #tpu.memory_space<vmem>>, vector<768x1024xf32>
    %dot_general3A = arith.constant dense<0.000000e+00> : vector<2048x1024xf32>
    %dot_general3A_7 = tpu.matmul %get3A_3, %get3A_6, %dot_general3A {dimension_numbers = #tpu.dot_dimension_numbers<[1], [0], [0], [1], [0, 0, 1, 1], [], []>, transpose_lhs_hint = false} : vector<2048x768xf32>, vector<768x1024xf32>, vector<2048x1024xf32> -> vector<2048x1024xf32>
    %mul3A = arith.constant 5.000000e-01 : f32
    %mul3A_8 = vector.broadcast %mul3A : f32 to vector<2048x1024xf32>
    %mul3A_9 = arith.mulf %mul3A_8, %dot_general3A_7 : vector<2048x1024xf32>
    %mul3A_10 = arith.constant 0.707106769 : f32
    %mul3A_11 = vector.broadcast %mul3A_10 : f32 to vector<2048x1024xf32>
    %mul3A_12 = arith.mulf %dot_general3A_7, %mul3A_11 : vector<2048x1024xf32>
    %erf3A = math.erf %mul3A_12 : vector<2048x1024xf32>
    %add3A = arith.constant 1.000000e+00 : f32
    %add3A_13 = vector.broadcast %add3A : f32 to vector<2048x1024xf32>
    %add3A_14 = arith.addf %add3A_13, %erf3A : vector<2048x1024xf32>
    %mul3A_15 = arith.mulf %mul3A_9, %add3A_14 : vector<2048x1024xf32>
    %iota3A = tpu.iota {dimensions = array<i32: 0>} : vector<64x1024xi32>
    %iota3A_16 = tpu.iota {dimensions = array<i32: 1>} : vector<64x1024xi32>
    %mul3A_17 = arith.constant 16 : i32
    %mul3A_18 = arith.muli %arg0, %mul3A_17 : i32
    %jit3A = arith.constant 64 : i32
    %div3A = vector.broadcast %jit3A : i32 to vector<64x1024xi32>
    %div3A_19 = arith.divsi %iota3A_16, %div3A : vector<64x1024xi32>
    %sign3A = arith.constant 0 : i32
    %sign3A_20 = vector.broadcast %sign3A : i32 to vector<64x1024xi32>
    %sign3A_21 = arith.cmpi sgt, %iota3A_16, %sign3A_20 : vector<64x1024xi32>
    %sign3A_22 = arith.extui %sign3A_21 : vector<64x1024xi1> to vector<64x1024xi32>
    %sign3A_23 = arith.constant 0 : i32
    %sign3A_24 = vector.broadcast %sign3A_23 : i32 to vector<64x1024xi32>
    %sign3A_25 = arith.cmpi slt, %iota3A_16, %sign3A_24 : vector<64x1024xi32>
    %sign3A_26 = arith.extui %sign3A_25 : vector<64x1024xi1> to vector<64x1024xi32>
    %sign3A_27 = arith.subi %sign3A_22, %sign3A_26 : vector<64x1024xi32>
    %sign3A_28 = arith.constant 0 : i32
    %sign3A_29 = arith.cmpi sgt, %jit3A, %sign3A_28 : i32
    %sign3A_30 = arith.extui %sign3A_29 : i1 to i32
    %sign3A_31 = arith.constant 0 : i32
    %sign3A_32 = arith.cmpi slt, %jit3A, %sign3A_31 : i32
    %sign3A_33 = arith.extui %sign3A_32 : i1 to i32
    %sign3A_34 = arith.subi %sign3A_30, %sign3A_33 : i32
    %ne3A = vector.broadcast %sign3A_34 : i32 to vector<64x1024xi32>
    %ne3A_35 = arith.cmpi ne, %sign3A_27, %ne3A : vector<64x1024xi32>
    %rem3A = vector.broadcast %jit3A : i32 to vector<64x1024xi32>
    %rem3A_36 = arith.remsi %iota3A_16, %rem3A : vector<64x1024xi32>
    %ne3A_37 = arith.constant 0 : i32
    %ne3A_38 = vector.broadcast %ne3A_37 : i32 to vector<64x1024xi32>
    %ne3A_39 = arith.cmpi ne, %rem3A_36, %ne3A_38 : vector<64x1024xi32>
    %and3A = arith.andi %ne3A_35, %ne3A_39 : vector<64x1024xi1>
    %sub3A = arith.constant 1 : i32
    %sub3A_40 = vector.broadcast %sub3A : i32 to vector<64x1024xi32>
    %sub3A_41 = arith.subi %div3A_19, %sub3A_40 : vector<64x1024xi32>
    %select_n3A = arith.select %and3A, %sub3A_41, %div3A_19 : vector<64x1024xi1>, vector<64x1024xi32>
    %add3A_42 = vector.broadcast %mul3A_18 : i32 to vector<64x1024xi32>
    %add3A_43 = arith.addi %add3A_42, %select_n3A : vector<64x1024xi32>
    %eq3A_44 = arith.cmpi eq, %iota3A, %add3A_43 : vector<64x1024xi32>
    %convert_element_type3A_45 = arith.extui %eq3A_44 : vector<64x1024xi1> to vector<64x1024xi32>
    %convert_element_type3A_46 = arith.sitofp %convert_element_type3A_45 : vector<64x1024xi32> to vector<64x1024xf32>
    %get3A_47 = arith.constant 0 : index
    %get3A_48 = arith.constant 0 : index
    %get3A_49 = vector.load %arg8[%get3A_47, %get3A_48] : memref<2048x64xf32, #tpu.memory_space<vmem>>, vector<2048x64xf32>
    %dot_general3A_50 = arith.constant dense<0.000000e+00> : vector<2048x1024xf32>
    %dot_general3A_51 = tpu.matmul %get3A_49, %convert_element_type3A_46, %dot_general3A_50 {dimension_numbers = #tpu.dot_dimension_numbers<[1], [0], [0], [1], [0, 0, 1, 1], [], []>, transpose_lhs_hint = false} : vector<2048x64xf32>, vector<64x1024xf32>, vector<2048x1024xf32> -> vector<2048x1024xf32>
    %mul3A_52 = arith.mulf %mul3A_15, %dot_general3A_51 : vector<2048x1024xf32>
    %get3A_53 = arith.constant 0 : index
    %get3A_54 = arith.constant 0 : index
    %get3A_55 = vector.load %arg5[%get3A_53, %get3A_54] : memref<1024x768xf32, #tpu.memory_space<vmem>>, vector<1024x768xf32>
    %dot_general3A_56 = arith.constant dense<0.000000e+00> : vector<2048x768xf32>
    %dot_general3A_57 = tpu.matmul %mul3A_52, %get3A_55, %dot_general3A_56 {dimension_numbers = #tpu.dot_dimension_numbers<[1], [0], [0], [1], [0, 0, 1, 1], [], []>, transpose_lhs_hint = false} : vector<2048x1024xf32>, vector<1024x768xf32>, vector<2048x768xf32> -> vector<2048x768xf32>
    %eq3A_58 = arith.constant 0 : i32
    %eq3A_59 = arith.cmpi eq, %arg0, %eq3A_58 : i32
    %convert_element_type3A_60 = arith.extui %eq3A_59 : i1 to i32
    %cond3A_61 = arith.constant 0 : i32
    %cond3A_62 = arith.cmpi ne, %convert_element_type3A_60, %cond3A_61 : i32
    scf.if %cond3A_62 {
      %swap3A = arith.constant 0 : index
      %swap3A_67 = arith.constant 0 : index
      %swap3A_68 = vector.load %arg6[%swap3A, %swap3A_67] : memref<2048x768xf32, #tpu.memory_space<vmem>>, vector<2048x768xf32>
      tpu.vector_store %arg6[%swap3A, %swap3A_67], %dot_general3A_57 {strides = array<i32>} : memref<2048x768xf32, #tpu.memory_space<vmem>>, vector<2048x768xf32>,
    } else {
    }
    %gt3A = arith.constant 0 : i32
    %gt3A_63 = arith.cmpi sgt, %arg0, %gt3A : i32
    %convert_element_type3A_64 = arith.extui %gt3A_63 : i1 to i32
    %cond3A_65 = arith.constant 0 : i32
    %cond3A_66 = arith.cmpi ne, %convert_element_type3A_64, %cond3A_65 : i32
    scf.if %cond3A_66 {
      %get3A_67 = arith.constant 0 : index
      %get3A_68 = arith.constant 0 : index
      %get3A_69 = vector.load %arg6[%get3A_67, %get3A_68] : memref<2048x768xf32, #tpu.memory_space<vmem>>, vector<2048x768xf32>
      %add3A_70 = arith.addf %get3A_69, %dot_general3A_57 : vector<2048x768xf32>
      %swap3A = arith.constant 0 : index
      %swap3A_71 = arith.constant 0 : index
      %swap3A_72 = vector.load %arg6[%swap3A, %swap3A_71] : memref<2048x768xf32, #tpu.memory_space<vmem>>, vector<2048x768xf32>
      tpu.vector_store %arg6[%swap3A, %swap3A_71], %add3A_70 {strides = array<i32>} : memref<2048x768xf32, #tpu.memory_space<vmem>>, vector<2048x768xf32>,
    } else {
    }
    return
  }
  func.func @transform_0(%arg0: i32) -> (i32, i32) {
    %c0_i32 = arith.constant 0 : i32
    %c0_i32_0 = arith.constant 0 : i32
    %c0_i32_1 = arith.constant 0 : i32
    return %c0_i32, %c0_i32_0 : i32, i32
  }
  func.func @transform_1(%arg0: i32) -> (i32, i32) {
    %c0_i32 = arith.constant 0 : i32
    %c0_i32_0 = arith.constant 0 : i32
    %c0_i32_1 = arith.constant 0 : i32
    return %c0_i32, %c0_i32_0 : i32, i32
  }
  func.func @transform_2(%arg0: i32) -> (i32, i32) {
    %c0_i32 = arith.constant 0 : i32
    %c0_i32_0 = arith.constant 0 : i32
    %c0_i32_1 = arith.constant 0 : i32
    return %c0_i32, %c0_i32_0 : i32, i32
  }
  func.func @transform_3(%arg0: i32) -> (i32, i32) {
    %c0_i32 = arith.constant 0 : i32
    %c0_i32_0 = arith.constant 0 : i32
    return %c0_i32, %arg0 : i32, i32
  }
  func.func @transform_4(%arg0: i32) -> (i32, i32) {
    %c0_i32 = arith.constant 0 : i32
    %c0_i32_0 = arith.constant 0 : i32
    return %arg0, %c0_i32 : i32, i32
  }
  func.func @transform_5(%arg0: i32) -> (i32, i32) {
    %c0_i32 = arith.constant 0 : i32
    %c0_i32_0 = arith.constant 0 : i32
    %c0_i32_1 = arith.constant 0 : i32
    return %c0_i32, %c0_i32_0 : i32, i32
  }
  func.func @transform_6(%arg0: i32) -> (i32, i32) {
    %c0_i32 = arith.constant 0 : i32
    %c0_i32_0 = arith.constant 0 : i32
    %c0_i32_1 = arith.constant 0 : i32
    return %c0_i32, %c0_i32_0 : i32, i32
  }
}

</mosaic_0001>

<sc_bundles>
// kernel: kernel.5.cloned.1.call-start
scs
__scs_entry_jumppad:
0x0: {  	(pc) =	sbr.rel $0x88, $3  }
0x1: {  	(tag) =	ssettag $0x0;
	lr =	simm.s32 $0x1  }
0x2: {  	[smem:$0x3F9D] =	sst lr;
	_ =	strace $0xD0000000  }
0x3: {  	_ = 	snop  }
0x4: {  	_ = 	snop  }
0x5: {  	_ = 	snop  }
0x6: {  	_ = 	snop  }
0x7: {  	_ = 	snop  }
__scs_overlays_trampoline_lowered:
0x8: {  	[smem:$0x3FAC] =	sst s0  }
0x9: {  	[smem:$0x3FAD] =	sst s1  }
0xa: {  	[smem:$0x3FAE] =	sst s2  }
0xb: {  	[smem:$0x3FAF] =	sst s3  }
0xc: {  	[smem:$0x3FB0] =	sst s4  }
0xd: {  	[smem:$0x3FB1] =	sst s5  }
0xe: {  	[smem:$0x3FB2] =	sst s6  }
0xf: {  	[smem:$0x3FB3] =	sst s7  }
0x10: {  	[smem:$0x3FB4] =	sst s8  }
0x11: {  	[smem:$0x3FB5] =	sst s9;
	s0 =	simm.s32 @!p0 $0x0  }
0x12: {  	s1 =	sld [smem:$0x3F9B];
	s0 =	simm.s32 @p0 $0x1  }
0x13: {  	[smem:$0x3FB6] =	sst s0;
	s0 =	simm.s32 @!p1 $0x0  }
0x14: {  	s2 =	sld [smem:$0x3F9A];
	s0 =	simm.s32 @p1 $0x1  }
0x15: {  	[smem:$0x3FB7] =	sst s0;
	s0 =	simm.s32 @!p2 $0x0  }
0x16: {  	s3 =	sld [smem:$0x3FDB];
	s0 =	simm.s32 @p2 $0x1  }
0x17: {  	s4 =	simm.s32 $0x1BF5;
	[smem:$0x3FB9] =	sst s0  }
0x18: {  	s0 =	sld [smem:$0x3F9C];
	_ =	swait.ge [sflag:s4], $0x0  }
0x19: {  	s7 =	sld [smem:$0x3F9D]  }
0x1a: {  	s8 =	sadd.s32 $0xFFFFE003, lr  }
0x1b: {  	s9 =	sadd.s32 $0xFFFFFEF7, lr;
	s5 =	simm.s32 $0xFFFFFFFF;
	p2 =	slt.u32 s8, $0xFFFFF086  }
0x1c: {  	p1 =	slt.u32 s9, $0xF7A;
	s5 =	simm.s32 @!p2 $0x0  }
0x1d: {  	s5 =	simm.s32 @p1 $0x1;
	p0 =	seq.s32 s7, s2  }
0x1e: {  	s7 =	smul.u32 @!p0 $0xF7A, s2;
	p2 =	seq.s32 @!p0 s5, $0x0  }
0x1f: {  	s9 =	smul.u32 $0xF7A, s1;
	s8 =	simm.s32 @!p0 $0x1BF5;
	p2 =	por !p2, p0  }
0x20: {  	[sflag:s8] =	ssyncset.s32 @!p0 $0xFFFFF086;
	s6 =	sadd.s32 @!p0 s3, s7;
	s7 =	simm.s32 @!p0 $0x108  }
0x21: {  	s3 =	sadd.s32 s3, s9;
	s6 =	sadd.s32 @!p0 $0x88, s6;
	s7 =	simm.s32 @p2 $0x1082  }
0x22: {  	[simem:s7], [sflag:s8] =	dma.local @!p0 [hbm:s6], $0xF7A  }
0x23: {  	s9 =	sor.u32 $0xD0000000, s2;
	s6 =	simm.s32 $0x108;
	_ =	swait.ge @!p0 [sflag:s8], $0x0  }
0x24: {  	s3 =	sadd.s32 $0x88, s3;
	s6 =	simm.s32 @!p1 $0x1082;
	[sflag:s4] =	ssyncset.s32 $0xFFFFF086  }
0x25: {  	[simem:s6], [sflag:s4] =	dma.local [hbm:s3], $0xF7A  }
0x26: {  	[smem:$0x3F9D] =	sst s1;
	(tag) =	ssettag s2;
	_ =	strace s9  }
0x27: {  	s1 =	sld [smem:$0x3FAD]  }
0x28: {  	s2 =	sld [smem:$0x3FAE]  }
0x29: {  	s4 =	sld [smem:$0x3FB0]  }
0x2a: {  	p0 =	seq.s32 s5, $0x0;
	s5 =	sld [smem:$0x3FB1]  }
0x2b: {  	s6 =	sld [smem:$0x3FB2]  }
0x2c: {  	s7 =	sld [smem:$0x3FB3]  }
0x2d: {  	s3 =	simm.s32 $0x108;
	s8 =	sld [smem:$0x3FB4]  }
0x2e: {  	s3 =	simm.s32 @!p0 $0x1082;
	s9 =	sld [smem:$0x3FB5]  }
0x2f: {  	lr =	sadd.s32 s0, s3;
	s0 =	sld [smem:$0x3FAC]  }
0x30: {  	s3 =	sld [smem:$0x3FAF]  }
0x31: {  	[smem:$0x3FB8] =	sst s10  }
0x32: {  	s10 =	sld [smem:$0x3FB6];
	_ =	sdelay $0x3  }
0x33: {  	p0 =	seq.s32 s10, $0x1;
	s10 =	sld [smem:$0x3FB8];
	_ =	sdelay $0x3  }
0x34: {  	[smem:$0x3FB8] =	sst s10  }
0x35: {  	s10 =	sld [smem:$0x3FB7];
	_ =	sdelay $0x3  }
0x36: {  	p1 =	seq.s32 s10, $0x1;
	s10 =	sld [smem:$0x3FB8];
	_ =	sdelay $0x3  }
0x37: {  	[smem:$0x3FB8] =	sst s10  }
0x38: {  	s10 =	sld [smem:$0x3FB9]  }
0x39: {  	_ = 	snop;
	(pc) =	sbr.ind lr, $3  }
0x3a: {  	_ = 	snop  }
0x3b: {  	_ = 	snop  }
0x3c: {  	p2 =	seq.s32 s10, $0x1;
	s10 =	sld [smem:$0x3FB8]  }
0x3d: {  	_ =	shalt  }
0x3e: {  	_ =	shalt  }
0x3f: {  	_ =	shalt  }
0x40: {  	_ =	shalt  }
0x41: {  	_ =	shalt  }
0x42: {  	_ =	shalt  }
0x43: {  	_ =	shalt  }
0x44: {  	_ =	shalt  }
0x45: {  	_ =	shalt  }
0x46: {  	_ =	shalt  }
0x47: {  	_ =	shalt  }
0x48: {  	_ =	shalt  }
0x49: {  	_ =	shalt  }
0x4a: {  	_ =	shalt  }
0x4b: {  	_ =	shalt  }
0x4c: {  	_ =	shalt  }
0x4d: {  	_ =	shalt  }
0x4e: {  	_ =	shalt  }
0x4f: {  	_ =	shalt  }
0x50: {  	_ =	shalt  }
0x51: {  	_ =	shalt  }
0x52: {  	_ =	shalt  }
0x53: {  	_ =	shalt  }
0x54: {  	_ =	shalt  }
0x55: {  	_ =	shalt  }
0x56: {  	_ =	shalt  }
0x57: {  	_ =	shalt  }
0x58: {  	_ =	shalt  }
0x59: {  	_ =	shalt  }
0x5a: {  	_ =	shalt  }
0x5b: {  	_ =	shalt  }
0x5c: {  	_ =	shalt  }
0x5d: {  	_ =	shalt  }
0x5e: {  	_ =	shalt  }
0x5f: {  	_ =	shalt  }
0x60: {  	_ =	shalt  }
0x61: {  	_ =	shalt  }
0x62: {  	_ =	shalt  }
0x63: {  	_ =	shalt  }
0x64: {  	_ =	shalt  }
0x65: {  	_ =	shalt  }
0x66: {  	_ =	shalt  }
0x67: {  	_ =	shalt  }
0x68: {  	_ =	shalt  }
0x69: {  	_ =	shalt  }
0x6a: {  	_ =	shalt  }
0x6b: {  	_ =	shalt  }
0x6c: {  	_ =	shalt  }
0x6d: {  	_ =	shalt  }
0x6e: {  	_ =	shalt  }
0x6f: {  	_ =	shalt  }
0x70: {  	_ =	shalt  }
0x71: {  	_ =	shalt  }
0x72: {  	_ =	shalt  }
0x73: {  	_ =	shalt  }
0x74: {  	_ =	shalt  }
0x75: {  	_ =	shalt  }
0x76: {  	_ =	shalt  }
0x77: {  	_ =	shalt  }
0x78: {  	_ =	shalt  }
0x79: {  	_ =	shalt  }
0x7a: {  	_ =	shalt  }
0x7b: {  	_ =	shalt  }
0x7c: {  	_ =	shalt  }
0x7d: {  	_ =	shalt  }
0x7e: {  	_ =	shalt  }
0x7f: {  	_ =	shalt  }
0x80: {  	_ =	shalt  }
0x81: {  	_ =	shalt  }
0x82: {  	_ =	shalt  }
0x83: {  	_ =	shalt  }
0x84: {  	_ =	shalt  }
0x85: {  	_ =	shalt  }
0x86: {  	_ =	shalt  }
0x87: {  	_ =	shalt  }
.Lfunc_end0:
.L_simem_size_0:
called_computation_lowered:
.L_overlay_start_0:
0x88: {  	s2 =	sld [smem:$0x3FD9]  }
0x89: {  	s3 =	sld [smem:$0x3FFE];
	_ =	sdelay $0x1  }
0x8a: {  	s1 =	srdreg.scid  }
0x8b: {  	s0 =	sand.u32 $0x1, s1  }
0x8c: {  	s14 =	sshll.u32 s0, $0xA;
	s2 =	sadd.s32 s3, s2  }
0x8d: {  	s2 =	sadd.s32 s2, s14  }
0x8e: {  	[smem:$0x3FC4] =	sst s2  }
0x8f: {  	_ = 	snop  }
0x90: {  	s2 =	sld [smem:$0x3FD0];
	_ =	sdelay $0x2  }
0x91: {  	s15 =	simm.s32 $0xA;
	s4 =	simm.s32 $0x10  }
0x92: {  	[smem:s4], [sflag:s15] =	dma.local [hbm:s2], $0x1  }
0x93: {  	_ =	swait.eq [sflag:s15], $0x1  }
0x94: {  	[sflag:s15] =	ssyncset.done $0x0  }
0x95: {  	[sflag:s15] =	ssyncadd.s32 $0xFFFFFFFF  }
0x96: {  	s16 =	sld [smem:$0x10];
	(tm) =	ssettm $0x1  }
0x97: {  	s17 =	sld [smem:$0x3FFB];
	_ =	sdelay $0x3  }
0x98: {  	_ =	strace s17  }
0x99: {  	s3 =	sld [smem:$0x3FFC];
	_ =	sdelay $0x3  }
0x9a: {  	_ =	strace s3  }
0x9b: {  	s3 =	sld [smem:$0x3FFD];
	_ =	sdelay $0x3  }
0x9c: {  	_ =	strace s3  }
0x9d: {  	_ =	strace $0x8FFFFFFF  }
0x9e: {  	s18 =	sld [smem:$0x3FDB];
	_ =	sdelay $0x1  }
0x9f: {  	s19 =	simm.s32 $_scs_section_size  }
0xa0: {  	s5 =	simm.s32 $_size__tile_overlayer_lowered;
	s6 =	simm.s32 $_tile_overlayer_lowered  }
0xa1: {  	s22 =	simm.s32 $0x1BFF;
	s21 =	sshll.u32 s6, $0x1;
	s3 =	sadd.s32 s19, s18  }
0xa2: {  	s7 =	simm.s32 $0x0;
	s20 =	sshll.u32 s5, $0x1;
	s5 =	sadd.s32 s21, s3  }
0xa3: {  	[timem:s7], [sflag:s22] =	dma.local [hbm:s5], s20  }
0xa4: {  	_ =	swait.ge [sflag:s22], s20  }
0xa5: {  	s4 =	ssub.s32 $0x0, s20;
	[sflag:s22] =	ssyncset.done $0x0  }
0xa6: {  	[sflag:s22] =	ssyncadd.s32 s4;
	_ =	sdelay $0x1  }
0xa7: {  	s23 =	simm.s32 $0x1B8B  }
0xa8: {  	_ =	swait.ge [sflag:s23], $0x1  }
0xa9: {  	[sflag:s23] =	ssyncset.done $0x0  }
0xaa: {  	s25 =	simm.s32 $0x1B8E;
	s24 =	sld [smem:$0x3FFE];
	[sflag:s23] =	ssyncadd.s32 $0xFFFFFFFF  }
0xab: {  	s26 =	simm.s32 $execute0_lowered;
	[smem:$0x3FD2] =	sst s25  }
0xac: {  	s5 =	sshll.u32 s26, $0x1;
	_ =	strace $0x80000046;
	[dreg:$0x1] =	wrdreg $0xFFFFFFFF  }
0xad: {  	s28 =	simm.s32 $_size_execute0_lowered;
	s3 =	sadd.s32 s3, s5;
	[dreg:$0x0] =	wrdreg $0x0  }
0xae: {  	s5 =	sshll.u32 s28, $0x1;
	[dreg:$0x2] =	wrdreg s3  }
0xaf: {  	[dreg:$0x3] =	wrdreg s5  }
0xb0: {  	[dreg:$0x4] =	wrdreg $0xC0  }
0xb1: {  	_ =	task [dreg:s7], $0x5FFFF  }
0xb2: {  	[dreg:$0x1] =	wrdreg $0xFFFFFFFF  }
0xb3: {  	[dreg:$0x0] =	wrdreg $0x60  }
0xb4: {  	[dreg:$0x2] =	wrdreg s16  }
0xb5: {  	[dreg:$0x3] =	wrdreg s24  }
0xb6: {  	[dreg:$0x4] =	wrdreg $0x9  }
0xb7: {  	_ =	task.clear_ibuf [dreg:s7], $0x5FFFF;
	_ =	strace $0x90000046  }
0xb8: {  	s29 =	simm.s32 $0x9;
	_ =	strace $0x80000048  }
0xb9: {  	_ =	swait.ge [sflag:s29], $0x1  }
0xba: {  	[sflag:s29] =	ssyncadd.s32 $0xFFFFFFFF  }
0xbb: {  	_ =	strace $0x90000048  }
0xbc: {  	_ =	sfence  }
0xbd: {  	s30 =	sld [smem:$0x0];
	_ =	sdelay $0x2  }
0xbe: {  	s31 =	sshll.u32 s1, $0xD;
	s1 =	sshrl.u32 s1, $0x2  }
0xbf: {  	s3 =	sand.u32 $0x4000, s31;
	s1 =	sadd.s32 s1, s30  }
0xc0: {  	s0 =	sor.u32 s3, s0;
	s1 =	sshll.u32 s1, $0x11  }
0xc1: {  	s0 =	sor.u32 s1, s0  }
0xc2: {  	s0 =	sadd.s32 $0x8F2B, s0  }
0xc3: {  	[sflag:s0] =	ssyncadd.remote.s32 $0x1  }
0xc4: {  	_ =	sfence.sel $0xFFFF  }
0xc5: {  	[dreg:$0x0] =	wrdreg $0xFFFFFFFF;
	(pc) =	sbr.abs _section_cstart, $3  }
0xc6: {  	[dreg:$0x1] =	wrdreg $0xFFFFFFFF  }
0xc7: {  	_ =	task.clear_ibuf [dreg:s7], $0x2FFFF;
	_ =	strace $0x9FFFFFFF  }
0xc8: {  	(tm) =	ssettm $0x7FFFFFFF  }
0xc9: {  	_ =	shalt  }
tec
execute0_lowered:
.L_overlay_start_1:
0x0: {  	(tag) =	ssettag $0x1  }
0x1: {  	s1 =	stileid.u32  }
0x2: {  	p0 =	sgt.u32 s1, $0x7  }
.Ltmp0:
0x3: {  	_ = 	snop;
	(pc) =	sbr.rel @p0 .LBB2_7-.Ltmp0, $4  }
0x4: {  	s4 =	rddreg [dreg:$0x0]  }
0x5: {  	s3 =	rddreg [dreg:$0x1];
	s2 =	simm.s32 $0x0  }
0x6: {  	[smem:$0x7FF] =	sst s2  }
0x7: {  	s0 =	rddreg [dreg:$0x2];
	_ =	strace $0x80000047  }
0x8: {  	s5 =	srdreg.scid  }
0x9: {  	s7 =	sshll.u32 s1, $0x7;
	s8 =	simm.s32 $0x1;
	s5 =	sand.u32 $0x1, s5  }
0xa: {  	s9 =	simm.s32 $0x2000;
	s6 =	sshll.u32 s5, $0xA;
	s5 =	ssub.s32 $0x2, s5  }
0xb: {  	s6 =	sadd.s32 s7, s6;
	s31 =	sshrl.u32 s5, $0x1;
	s7 =	simm.s32 $0x4000  }
0xc: {  	s3 =	sadd.s32 s6, s3;
	s5 =	ssub.s32 s5, s31;
	s4 =	sadd.s32 s4, s6  }
0xd: {  	s6 =	simm.s32 $0x400;
	s3 =	sadd.s32 $0xE00, s3;
	s5 =	smax.u32 s5, $0x1  }
.LBB2_2:
0xe: {  	s10 =	simm.s32 $0x0  }
0xf: {  	[tilespmem:s10], [sflag:$0x1] =	stream.strided.gather [hbm4b:s4+s6], $0x2000, s7, s6, $0x38;
	[tilespmem:$0x4000] =	vst v63  }
0x10: {  	_ =	swait.ge [sflag:s8], $0x2000  }
0x11: {  	v6 =	vimm.f32 $-Inf;
	v0 =	vimm.s32 $0x0;
	[sflag:s8] =	ssyncset.done $0x0  }
0x12: {  	s11 =	simm.s32 $0x40;
	v19 =	vimm.f32 $-Inf;
	v1 =	vimm.f32 $-Inf;
	v33 =	vimm.f32 $-Inf;
	[sflag:s8] =	ssyncadd.s32 $0xFFFFE000  }
0x13: {  	v34 =	vimm.f32 $-Inf;
	v35 =	vimm.f32 $-Inf;
	v18 =	vimm.f32 $-Inf;
	v2 =	vld [tilespmem:s11+$0xFFFFFFC0]  }
0x14: {  	v17 =	vimm.f32 $-Inf;
	v8 =	vimm.f32 $-Inf;
	v30 =	vimm.f32 $-Inf;
	v16 =	vld [tilespmem:s11+$0xFFFFFFD0]  }
0x15: {  	v31 =	vimm.f32 $-Inf;
	v32 =	vimm.f32 $-Inf;
	v21 =	vimm.f32 $-Inf;
	v4 =	vld [tilespmem:s11+$0xFFFFFFE0]  }
0x16: {  	v26 =	vimm.f32 $-Inf;
	v29 =	vimm.s32 $0x0;
	v11 =	vimm.s32 $0x0;
	v5 =	vld [tilespmem:s11+$0xFFFFFFF0]  }
0x17: {  	v12 =	vimm.s32 $0x0;
	v28 =	vimm.s32 $0x0;
	v27 =	vimm.s32 $0x0;
	v7 =	vld [tilespmem:s11+$0x0]  }
0x18: {  	v10 =	vimm.s32 $0x0;
	v9 =	vimm.s32 $0x0;
	v24 =	vimm.s32 $0x0;
	v23 =	vld [tilespmem:s11+$0x10]  }
0x19: {  	v25 =	vimm.s32 $0x0;
	v14 =	vimm.s32 $0x0;
	v15 =	vimm.s32 $0x0;
	v36 =	vld [tilespmem:s11+$0x20]  }
0x1a: {  	v20 =	vimm.s32 $0x0;
	v22 =	vimm.s32 $0x0;
	v13 =	vimm.s32 $0x0;
	v37 =	vld [tilespmem:s11+$0x30]  }
0x1b: {  	v3 =	vimm.s32 $0x0;
	vm1 =	vgt.f32 v2, v6;
	vm0 =	vgt.f32 v16, v6  }
0x1c: {  	vm3 =	vgt.f32 v4, v6;
	vm4 =	vgt.f32 v5, v6;
	vm2 =	vgt.f32 v7, v6  }
0x1d: {  	vm7 =	vgt.f32 v2, v6;
	vm8 =	vgt.f32 v16, v6;
	vm5 =	vgt.f32 v23, v6  }
0x1e: {  	s12 =	simm.s32 $0x1;
	vm6 =	vgt.f32 v36, v6;
	v38 =	vsel vm7, v2, v6;
	v39 =	vsel vm8, v16, v6  }
.LBB2_3:
0x1f: {  	p0 =	sne.s32 s12, $0x3F;
	v38 =	vsel vm1, v6, v38;
	v39 =	vsel vm0, v19, v39;
	vm9 =	vgt.f32 v37, v1  }
0x20: {  	vm10 =	vgt.f32 v4, v33;
	vm11 =	vgt.f32 v5, v34;
	vm12 =	vgt.f32 v7, v35  }
0x21: {  	v33 =	vsel vm10, v4, v33;
	v34 =	vsel vm11, v5, v34;
	v35 =	vsel vm12, v7, v35  }
0x22: {  	v33 =	vsel vm3, v18, v33;
	v34 =	vsel vm4, v17, v34;
	v35 =	vsel vm2, v8, v35  }
0x23: {  	vm13 =	vgt.f32 v23, v30;
	vm14 =	vgt.f32 v36, v31;
	vm15 =	vgt.f32 v37, v32  }
0x24: {  	v30 =	vsel vm13, v23, v30;
	v31 =	vsel vm14, v36, v31;
	v32 =	vsel vm15, v37, v32  }
0x25: {  	v30 =	vsel vm5, v21, v30;
	v31 =	vsel vm6, v26, v31;
	v32 =	vsel vm9, v1, v32  }
0x26: {  	v0 =	vsel vm14, s10, v0;
	v29 =	vsel vm15, s10, v29;
	v1 =	vsel vm9, v37, v1  }
0x27: {  	v0 =	vsel vm6, v11, v0;
	v26 =	vsel vm6, v36, v26;
	v29 =	vsel vm9, v12, v29  }
0x28: {  	s11 =	sadd.s32 $0x80, s11;
	v28 =	vsel vm12, s10, v28;
	v27 =	vsel vm13, s10, v27;
	v21 =	vsel vm5, v23, v21  }
0x29: {  	v28 =	vsel vm2, v10, v28;
	v8 =	vsel vm2, v7, v8;
	v27 =	vsel vm5, v9, v27;
	v36 =	vld [tilespmem:s11+$0xFFFFFFC0]  }
0x2a: {  	v7 =	vsel vm10, s10, v24;
	v23 =	vsel vm11, s10, v25;
	v17 =	vsel vm4, v5, v17;
	v37 =	vld [tilespmem:s11+$0xFFFFFFD0]  }
0x2b: {  	v18 =	vsel vm3, v4, v18;
	v24 =	vsel vm3, v14, v7;
	v25 =	vsel vm4, v15, v23;
	v4 =	vld [tilespmem:s11+$0xFFFFFFE0]  }
0x2c: {  	v20 =	vsel vm7, s10, v20;
	v22 =	vsel vm8, s10, v22;
	v19 =	vsel vm0, v16, v19;
	v5 =	vld [tilespmem:s11+$0xFFFFFFF0]  }
0x2d: {  	v6 =	vsel vm1, v2, v6;
	v20 =	vsel vm1, v13, v20;
	v22 =	vsel vm0, v3, v22;
	v7 =	vld [tilespmem:s11+$0x0]  }
0x2e: {  	v9 =	vsel vm5, s10, v9;
	v11 =	vsel vm6, s10, v11;
	v12 =	vsel vm9, s10, v12;
	v23 =	vld [tilespmem:s11+$0x10];
	v2 =	vmovc v36  }
0x2f: {  	v10 =	vsel vm2, s10, v10;
	v14 =	vsel vm3, s10, v14;
	v15 =	vsel vm4, s10, v15;
	v36 =	vld [tilespmem:s11+$0x20];
	v16 =	vmovc v37  }
.Ltmp1:
0x30: {  	v13 =	vsel vm1, s10, v13;
	v3 =	vsel vm0, s10, v3;
	s10 =	smov.u32 s12;
	v37 =	vld [tilespmem:s11+$0x30];
	(pc) =	sbr.rel @p0 .LBB2_3-.Ltmp1, $4  }
0x31: {  	vm1 =	vgt.f32 v2, v6;
	vm0 =	vgt.f32 v16, v19  }
0x32: {  	vm3 =	vgt.f32 v4, v18;
	vm4 =	vgt.f32 v5, v17;
	vm2 =	vgt.f32 v7, v8  }
0x33: {  	vm7 =	vgt.f32 v2, v38;
	vm8 =	vgt.f32 v16, v39;
	vm5 =	vgt.f32 v23, v21  }
0x34: {  	s12 =	sadd.s32 $0x1, s12;
	v38 =	vsel vm7, v2, v38;
	v39 =	vsel vm8, v16, v39;
	vm6 =	vgt.f32 v36, v26  }
0x35: {  	v38 =	vsel vm1, v6, v38;
	v39 =	vsel vm0, v19, v39;
	vm9 =	vgt.f32 v37, v1  }
0x36: {  	vm11 =	vgt.f32 v4, v33;
	vm10 =	vgt.f32 v5, v34;
	vm12 =	vgt.f32 v7, v35  }
0x37: {  	vm13 =	vgt.f32 v23, v30;
	vm14 =	vgt.f32 v36, v31;
	vm15 =	vgt.f32 v37, v32  }
0x38: {  	v16 =	vsel vm0, v16, v19;
	v33 =	vsel vm11, v4, v33;
	v34 =	vsel vm10, v5, v34  }
0x39: {  	v35 =	vsel vm12, v7, v35;
	v30 =	vsel vm13, v23, v30;
	v31 =	vsel vm14, v36, v31  }
0x3a: {  	v32 =	vsel vm15, v37, v32;
	v0 =	vsel vm14, s10, v0;
	v29 =	vsel vm15, s10, v29  }
0x3b: {  	v41 =	vsel vm9, v37, v1;
	v19 =	vsel vm13, s10, v27;
	v27 =	vsel vm4, v5, v17  }
0x3c: {  	v33 =	vsel vm3, v18, v33;
	v34 =	vsel vm4, v17, v34;
	v35 =	vsel vm2, v8, v35  }
0x3d: {  	v30 =	vsel vm5, v21, v30;
	v31 =	vsel vm6, v26, v31;
	v32 =	vsel vm9, v1, v32  }
0x3e: {  	v0 =	vsel vm6, v11, v0;
	v26 =	vsel vm6, v36, v26;
	v1 =	vsel vm9, v12, v29  }
0x3f: {  	v29 =	vsel vm1, v2, v6;
	v2 =	vsel vm12, s10, v28;
	v28 =	vsel vm5, v23, v21  }
0x40: {  	v21 =	vadd.f32 v39, v16;
	v18 =	vsel vm3, v4, v18;
	v4 =	vsel vm5, v9, v19  }
0x41: {  	v17 =	vsel vm10, s10, v25;
	v9 =	vsel vm5, s10, v9;
	v11 =	vsel vm6, s10, v11  }
0x42: {  	v12 =	vsel vm9, s10, v12;
	v23 =	vsel vm1, s10, v13;
	v6 =	vadd.f32 v38, v29  }
0x43: {  	s31 =	simm.s32 $0x0;
	v2 =	vsel vm2, v10, v2;
	v5 =	vadd.f32 v33, v18;
	v19 =	vadd.f32 v31, v26  }
0x44: {  	v10 =	vsel vm2, s10, v10;
	vm10 =	veq.s32 v9, s31;
	vm12 =	veq.s32 v11, s31  }
0x45: {  	vm13 =	veq.s32 v12, s31;
	vm14 =	veq.s32 v1, s31;
	(erf) = vrcp.f32 v6  }
0x46: {  	vm15 =	veq.s32 v0, s31;
	vm9 =	veq.s32 v2, s31;
	(erf) = vrcp.f32 v21  }
0x47: {  	v6 =	vadd.f32 v34, v27;
	v21 =	vsel vm2, v7, v8;
	(erf) = vrcp.f32 v5  }
0x48: {  	v7 =	vsel vm11, s10, v24;
	vm11 =	veq.s32 v4, s31;
	v8 =	vadd.f32 v35, v21  }
0x49: {  	v5 =	vsel vm3, v14, v7;
	v7 =	vsel vm7, s10, v20;
	v20 =	vadd.f32 v32, v41  }
0x4a: {  	v14 =	vsel vm3, s10, v14;
	(erf) = vrcp.f32 v6;
	v6 =	vsel vm4, v15, v17  }
0x4b: {  	v17 =	vsel vm8, s10, v22;
	(erf) = vrcp.f32 v8;
	v8 =	vadd.f32 v30, v28  }
0x4c: {  	v7 =	vsel vm1, v13, v7;
	v15 =	vsel vm4, s10, v15;
	vm4 =	veq.s32 v14, s31  }
0x4d: {  	vm5 =	veq.s32 v5, s31;
	vm8 =	veq.s32 v10, s31;
	(erf) = vrcp.f32 v8  }
0x4e: {  	vm1 =	veq.s32 v7, s31;
	v8 =	vsel vm0, v3, v17;
	(erf) = vrcp.f32 v19;
	v17 =	vpop (erf)  }
0x4f: {  	vm6 =	veq.s32 v15, s31;
	(erf) = vrcp.f32 v20;
	v19 =	vpop (erf);
	v20 =	vmul.f32 v17, v29  }
0x50: {  	vm7 =	veq.s32 v6, s31;
	v17 =	vmul.f32 v17, v38;
	v16 =	vmul.f32 v19, v16;
	v22 =	vpop (erf)  }
0x51: {  	v19 =	vmul.f32 v19, v39;
	v13 =	vadd.f32 $2.000000000e+00, v20;
	v24 =	vmul.f32 v22, v18  }
0x52: {  	vm3 =	veq.s32 v8, s31;
	v17 =	vadd.f32 $2.000000000e+00, v17;
	v16 =	vadd.f32 $2.000000000e+00, v16  }
0x53: {  	s11 =	simm.s32 $0x1;
	v22 =	vmul.f32 v22, v33;
	v18 =	vadd.f32 $2.000000000e+00, v19;
	v20 =	vpop (erf);
	v19 =	vadd.f32 $2.000000000e+00, v24  }
0x54: {  	v46 =	vnsel vm1, $0x0, v17;
	vm1 =	veq.s32 v9, s11;
	v29 =	vmul.f32 v20, v27  }
0x55: {  	v25 =	vpop (erf);
	v24 =	vmul.f32 v20, v34;
	v27 =	vadd.f32 $2.000000000e+00, v22;
	v49 =	vnsel vm3, $0x0, v18  }
0x56: {  	vm3 =	veq.s32 v10, s11;
	v21 =	vmul.f32 v25, v21;
	v22 =	vmul.f32 v25, v35  }
0x57: {  	v42 =	vpop (erf);
	v50 =	vnsel vm4, $0x0, v19;
	vm4 =	veq.s32 v2, s11;
	v20 =	vadd.f32 $2.000000000e+00, v29  }
0x58: {  	v24 =	vadd.f32 $2.000000000e+00, v24;
	v25 =	vmul.f32 v42, v28;
	v28 =	vmul.f32 v42, v30  }
0x59: {  	v51 =	vnsel vm5, $0x0, v27;
	v21 =	vadd.f32 $2.000000000e+00, v21;
	v22 =	vadd.f32 $2.000000000e+00, v22  }
0x5a: {  	vm5 =	veq.s32 v15, s11;
	v52 =	vadd.f32 v51, v50;
	v25 =	vadd.f32 $2.000000000e+00, v25  }
0x5b: {  	v29 =	vpop (erf);
	v28 =	vadd.f32 $2.000000000e+00, v28;
	v53 =	vnsel vm6, $0x0, v20;
	v54 =	vnsel vm7, $0x0, v24  }
0x5c: {  	vm7 =	veq.s32 v14, s11;
	vm6 =	veq.s32 v6, s11;
	v26 =	vmul.f32 v29, v26  }
0x5d: {  	v30 =	vpop (erf);
	v29 =	vmul.f32 v29, v31;
	v55 =	vnsel vm8, $0x0, v21;
	v56 =	vnsel vm9, $0x0, v22  }
0x5e: {  	v57 =	vadd.f32 v54, v53;
	vm8 =	veq.s32 v5, s11;
	v31 =	vmul.f32 v30, v41  }
0x5f: {  	v32 =	vmul.f32 v30, v32;
	v30 =	vsel vm0, s10, v3;
	vm0 =	veq.s32 v23, s31  }
0x60: {  	s10 =	simm.s32 $0x2040;
	v58 =	vadd.f32 v56, v55;
	v59 =	vnsel vm10, $0x0, v25;
	v60 =	vnsel vm11, $0x0, v28  }
0x61: {  	v26 =	vadd.f32 $2.000000000e+00, v26;
	v3 =	vadd.f32 $2.000000000e+00, v29;
	vm2 =	veq.s32 v30, s31;
	[tilespmem:s10+$0xFFFFFFE0] =	vst v52  }
0x62: {  	v45 =	vnsel vm0, $0x0, v13;
	v33 =	vadd.f32 v60, v59;
	[tilespmem:s10+$0xFFFFFFF0] =	vst v57;
	v29 =	vadd.f32 $2.000000000e+00, v31  }
0x63: {  	v31 =	vadd.f32 $2.000000000e+00, v32;
	v47 =	vadd.f32 v46, v45;
	v48 =	vnsel vm2, $0x0, v16;
	[tilespmem:s10+$0x0] =	vst v58  }
0x64: {  	v34 =	vadd.f32 v49, v48;
	v61 =	vnsel vm12, $0x0, v26;
	v62 =	vnsel vm15, $0x0, v3;
	[tilespmem:s10+$0x10] =	vst v33  }
0x65: {  	v43 =	vnsel vm13, $0x0, v29;
	v44 =	vnsel vm14, $0x0, v31;
	[tilespmem:s10+$0xFFFFFFC0] =	vst v47;
	v63 =	vadd.f32 v62, v61  }
0x66: {  	vm11 =	veq.s32 v23, s11;
	vm10 =	veq.s32 v8, s11;
	v32 =	vadd.f32 v44, v43;
	[tilespmem:s10+$0xFFFFFFD0] =	vst v34  }
0x67: {  	vm9 =	veq.s32 v30, s11;
	vm0 =	veq.s32 v11, s11;
	vm2 =	veq.s32 v4, s11;
	[tilespmem:s10+$0x20] =	vst v63  }
0x68: {  	s12 =	simm.s32 $0x2;
	vm12 =	veq.s32 v7, s11;
	vm15 =	veq.s32 v1, s11;
	vm14 =	veq.s32 v12, s11;
	[tilespmem:s10+$0x30] =	vst v32  }
.LBB2_5:
0x69: {  	p0 =	sne.s32 s12, $0x3F;
	vm13 =	veq.s32 v0, s11;
	v32 =	vnsel vm14, $0x0, v29;
	v33 =	vnsel vm15, $0x0, v31;
	s11 =	smov.u32 s12  }
0x6a: {  	v34 =	vnsel vm11, $0x0, v13;
	v35 =	vnsel vm12, $0x0, v17;
	v32 =	vadd.f32 v33, v32  }
0x6b: {  	s10 =	sadd.s32 $0x80, s10;
	v33 =	vadd.f32 v35, v34;
	v34 =	vnsel vm9, $0x0, v16;
	v35 =	vnsel vm10, $0x0, v18  }
0x6c: {  	v36 =	vnsel vm8, $0x0, v27;
	v34 =	vadd.f32 v35, v34;
	v35 =	vnsel vm7, $0x0, v19;
	[tilespmem:s10+$0x30] =	vst v32  }
0x6d: {  	v32 =	vadd.f32 v36, v35;
	v35 =	vnsel vm6, $0x0, v24;
	[tilespmem:s10+$0xFFFFFFC0] =	vst v33;
	v33 =	vnsel vm5, $0x0, v20  }
0x6e: {  	[tilespmem:s10+$0xFFFFFFD0] =	vst v34;
	v33 =	vadd.f32 v35, v33;
	v34 =	vnsel vm3, $0x0, v21;
	v35 =	vnsel vm4, $0x0, v22  }
0x6f: {  	[tilespmem:s10+$0xFFFFFFE0] =	vst v32;
	v32 =	vadd.f32 v35, v34;
	v34 =	vnsel vm1, $0x0, v25;
	v35 =	vnsel vm2, $0x0, v28  }
0x70: {  	[tilespmem:s10+$0xFFFFFFF0] =	vst v33;
	v33 =	vadd.f32 v35, v34;
	v34 =	vnsel vm0, $0x0, v26;
	v35 =	vnsel vm13, $0x0, v3  }
0x71: {  	[tilespmem:s10+$0x0] =	vst v32;
	v32 =	vadd.f32 v35, v34  }
.Ltmp2:
0x72: {  	vm11 =	veq.s32 v23, s12;
	vm12 =	veq.s32 v7, s12;
	vm9 =	veq.s32 v30, s12;
	[tilespmem:s10+$0x10] =	vst v33;
	(pc) =	sbr.rel @p0 .LBB2_5-.Ltmp2, $4  }
0x73: {  	vm8 =	veq.s32 v5, s12;
	vm10 =	veq.s32 v8, s12;
	vm7 =	veq.s32 v14, s12;
	[tilespmem:s10+$0x20] =	vst v32  }
0x74: {  	vm6 =	veq.s32 v6, s12;
	vm5 =	veq.s32 v15, s12;
	vm3 =	veq.s32 v10, s12  }
0x75: {  	vm4 =	veq.s32 v2, s12;
	vm1 =	veq.s32 v9, s12;
	vm2 =	veq.s32 v4, s12  }
0x76: {  	vm14 =	veq.s32 v12, s11;
	vm15 =	veq.s32 v1, s11;
	s12 =	sadd.s32 $0x1, s12;
	vm0 =	veq.s32 v11, s11  }
0x77: {  	vm13 =	veq.s32 v0, s11;
	v48 =	vnsel vm14, $0x0, v29;
	v1 =	vnsel vm15, $0x0, v31  }
0x78: {  	v2 =	vnsel vm11, $0x0, v13;
	v4 =	vnsel vm12, $0x0, v17;
	v0 =	vadd.f32 v1, v48  }
0x79: {  	v50 =	vnsel vm9, $0x0, v16;
	v51 =	vnsel vm10, $0x0, v18;
	s10 =	sadd.s32 $0x80, s10;
	v49 =	vadd.f32 v4, v2  }
0x7a: {  	v52 =	vnsel vm7, $0x0, v19;
	v5 =	vnsel vm8, $0x0, v27;
	v2 =	vadd.f32 v51, v50;
	[tilespmem:s10+$0x30] =	vst v0  }
0x7b: {  	v54 =	vnsel vm5, $0x0, v20;
	v55 =	vnsel vm6, $0x0, v24;
	v53 =	vadd.f32 v5, v52;
	[tilespmem:s10+$0xFFFFFFC0] =	vst v49  }
0x7c: {  	v56 =	vnsel vm3, $0x0, v21;
	v57 =	vnsel vm4, $0x0, v22;
	v1 =	vadd.f32 v55, v54;
	[tilespmem:s10+$0xFFFFFFD0] =	vst v2  }
0x7d: {  	v59 =	vnsel vm1, $0x0, v25;
	v60 =	vnsel vm2, $0x0, v28;
	v58 =	vadd.f32 v57, v56;
	[tilespmem:s10+$0xFFFFFFE0] =	vst v53  }
0x7e: {  	v62 =	vnsel vm0, $0x0, v26;
	v61 =	vadd.f32 v60, v59;
	v3 =	vnsel vm13, $0x0, v3;
	[tilespmem:s10+$0xFFFFFFF0] =	vst v1  }
0x7f: {  	s2 =	sadd.s32 $0x1, s2;
	v63 =	vadd.f32 v3, v62;
	[tilespmem:s10+$0x0] =	vst v58  }
0x80: {  	p0 =	sne.s32 s2, s5;
	[tilespmem:s10+$0x10] =	vst v61  }
.Ltmp3:
0x81: {  	[tilespmem:s10+$0x20] =	vst v63;
	(pc) =	sbr.rel @p0 .LBB2_2-.Ltmp3, $4  }
0x82: {  	[hbm4b:s3+s6] =	stream.strided.scatter [tilespmem:s9], [sflag:$0x1], $0x2000, s7, s6, $0x38;
	[tilespmem:$0x4000] =	vst v63  }
0x83: {  	_ =	swait.ge [sflag:s8], $0x2000  }
0x84: {  	[sflag:s8] =	ssyncset.done $0x0  }
0x85: {  	[sflag:s8] =	ssyncadd.s32 $0xFFFFE000  }
.LBB2_7:
0x86: {  	_ =	sfence.sel $0x180000  }
0x87: {  	[bflag:$0x0] =	sbarrier.arrive $0xFFFF  }
0x88: {  	p0 =	sne.s32 s1, $0x0;
	_ =	strace $0x90000047  }
0x89: {  	s0 =	sadd.s32 @!p0 $0x100000, s0;
	[bflag:$0x2] =	sbarrier.arrive $0xFFFF  }
0x8a: {  	[sflag:s0] =	ssyncadd.tile.s32 @!p0 $0x1;
	_ =	shalt  }
.Lfunc_end2:
_tile_overlayer_lowered:
.L_overlay_start_2:
0x8b: {  	(tag) =	ssettag $0x2  }
0x8c: {  	s0 =	rddreg [dreg:$0x0];
	s2 =	stileid.u32  }
0x8d: {  	s1 =	rddreg [dreg:$0x1];
	p0 =	sne.s32 s2, $0x0  }
0x8e: {  	s3 =	rddreg [dreg:$0x2];
	[bflag:$0x3] =	sbarrier.arrive $0xFFFF;
	s2 =	simm.s32 @!p0 $0x1C01  }
0x8f: {  	[timem:s3], [sflag:s2] =	dma.local @!p0 [hbm:s0], s1  }
0x90: {  	s0 =	simm.s32 @!p0 $0x1  }
0x91: {  	_ =	swait.ge @!p0 [sflag:s0], s1  }
0x92: {  	s1 =	ssub.s32 @!p0 $0x0, s1;
	[sflag:s0] =	ssyncset.done @!p0 $0x0  }
0x93: {  	[sflag:s0] =	ssyncadd.s32 @!p0 s1  }
0x94: {  	[bflag:$0x3] =	sbarrier.arrive $0xFFFF  }
0x95: {  	_ =	shalt  }

</sc_bundles>
